<compile_context>
chip_gen: v7x
topology: tpu7x:2x2x1
jax: 0.10.2.dev20260603
libtpu: 0.0.44.dev20260713+nightly
codegen_flags: <defaults>
</compile_context>

<pallas_src>
import functools

import jax
import jax.numpy as jnp
from jax import lax
from jax.experimental import pallas as pl
from jax.experimental.pallas import tpu as pltpu
from jax.experimental.pallas import tpu_sc as plsc

E = 16384
D = 64
NC = 2
NS = 16
L = 16
NW = NC * NS
BW = E // NW
CH = 128
NCH = BW // CH


def _sc_body(edges_hbm, table_hbm, out_hbm, idx_u, idx_v, rows_u, rows_v,
             tbuf, out_v, sem):
    c = lax.axis_index("c")
    s = lax.axis_index("s")
    wid = s * NC + c
    base = wid * BW

    for j in range(NCH):
        pltpu.sync_copy(edges_hbm.at[pl.ds(base + j * CH, CH)], idx_u.at[j])
        pltpu.sync_copy(edges_hbm.at[pl.ds(E + base + j * CH, CH)],
                        idx_v.at[j])

    copies = []
    for j in range(NCH):
        copies.append(pltpu.async_copy(
            table_hbm.at[idx_u.at[j]],
            rows_u.at[pl.ds(j * CH, CH)], sem))
        copies.append(pltpu.async_copy(
            table_hbm.at[idx_v.at[j]],
            rows_v.at[pl.ds(j * CH, CH)], sem))
    for cp in copies:
        cp.wait()

    lanes = lax.iota(jnp.int32, L)

    def group_body(g, carry):
        for ei in range(L):
            e = g * L + ei
            p = jnp.zeros((L,), jnp.float32)
            for c in range(D // L):
                u = rows_u[e, pl.ds(c * L, L)]
                v = rows_v[e, pl.ds(c * L, L)]
                p = p + u * v
            plsc.store_scatter(tbuf, [lanes * L + ei], p)
        acc = jnp.zeros((L,), jnp.float32)
        for k in range(L):
            acc = acc + tbuf[pl.ds(k * L, L)]
        sig = 1.0 / (1.0 + jnp.exp(-acc))
        out_v[pl.ds(g * L, L)] = sig
        return carry

    lax.fori_loop(0, BW // L, group_body, 0)

    pltpu.sync_copy(out_v, out_hbm.at[pl.ds(base, BW)])


@functools.partial(jax.jit, static_argnums=())
def _run(edges_flat, emb_table):
    mesh = plsc.VectorSubcoreMesh(core_axis_name="c", subcore_axis_name="s")
    f = pl.kernel(
        _sc_body,
        out_type=jax.ShapeDtypeStruct((E,), jnp.float32),
        mesh=mesh,
        scratch_types=[
            pltpu.VMEM((NCH, CH), jnp.int32),
            pltpu.VMEM((NCH, CH), jnp.int32),
            pltpu.VMEM((BW, D), jnp.float32),
            pltpu.VMEM((BW, D), jnp.float32),
            pltpu.VMEM((L * L,), jnp.float32),
            pltpu.VMEM((BW,), jnp.float32),
            pltpu.SemaphoreType.DMA,
        ],
        compiler_params=pltpu.CompilerParams(
            needs_layout_passes=False, use_tc_tiling_on_sc=False),
    )
    return f(edges_flat, emb_table)


def kernel(edges, emb_table):
    edges_flat = edges.reshape(-1).astype(jnp.int32)
    return _run(edges_flat, emb_table)

# --- scband reference (transcript-rebuilt; emitter-appended) ---
"""Pipeline reference for scband-simple-embedding-21732534518148 (READ-ONLY COPY).

The authoritative reference and input builder live on the scoring server;
editing this copy changes nothing except your own understanding.
"""

import jax, jax.numpy as jnp
import numpy as np

NUM_EMBEDDINGS = 100000
EMBEDDING_DIM = 64
NUM_EDGES = 16384

def setup_inputs(seed: int = 0) -> dict:
    key = jax.random.key(seed)
    k_idx, k_tab = jax.random.split(key)
    edges = jax.random.randint(k_idx, (2, NUM_EDGES), 0, NUM_EMBEDDINGS, dtype=jnp.int64 if jax.config.jax_enable_x64 else jnp.int32)
    emb_table = jax.random.normal(k_tab, (NUM_EMBEDDINGS, EMBEDDING_DIM), dtype=jnp.float32)
    return {"edges": edges, "emb_table": emb_table}

def reference(edges, emb_table):
    # embedded_nodes = self.emb(edges) -> [2, E, d]
    embedded_nodes = jnp.take(emb_table, edges, axis=0)
    # s_product = (embedded_nodes[0] * embedded_nodes[1]).sum(axis=1) -> [E]
    s_product = jnp.sum(embedded_nodes[0] * embedded_nodes[1], axis=1)
    out = jax.nn.sigmoid(s_product)
    return out

if __name__ == "__main__":
    import jax
    _d = setup_inputs()
    print(jax.jit(kernel)(*tuple(_d.values())))

</pallas_src>

<mosaic_0001>
#map = affine_map<(d0, d1) -> (0)>
#map1 = affine_map<(d0, d1) -> (0, 0)>
module attributes {stable_mosaic.version = 14 : i64} {
  func.func @_sc_body(%arg0: i32, %arg1: i32, %arg2: memref<32768xi32, #tpu.memory_space<hbm>>, %arg3: memref<100000x64xf32, #tpu.memory_space<hbm>>, %arg4: memref<16384xf32, #tpu.memory_space<hbm>>, %arg5: memref<4x128xi32, #tpu.memory_space<vmem>>, %arg6: memref<4x128xi32, #tpu.memory_space<vmem>>, %arg7: memref<512x64xf32, #tpu.memory_space<vmem>>, %arg8: memref<512x64xf32, #tpu.memory_space<vmem>>, %arg9: memref<256xf32, #tpu.memory_space<vmem>>, %arg10: memref<512xf32, #tpu.memory_space<vmem>>, %arg11: memref<!tpu.dma_semaphore, #tpu.memory_space<semaphore_mem>>) attributes {dimension_semantics = [#tpu.dimension_semantics<core_parallel>, #tpu.dimension_semantics<subcore_parallel>], iteration_bounds = array<i64: 2, 16>, scalar_prefetch = 0 : i64, scratch_operands = 7 : i64, tpu.core_type = #tpu.core_type<sc_vector_subcore>, window_params = [{transform_indices = #map}, {transform_indices = #map1}, {transform_indices = #map}]} {
    %mul3A = arith.constant 2 : i32
    %mul3A_0 = arith.muli %arg1, %mul3A : i32
    %add3A = arith.addi %mul3A_0, %arg0 : i32
    %mul3A_1 = arith.constant 512 : i32
    %mul3A_2 = arith.muli %add3A, %mul3A_1 : i32
    %add3A_3 = arith.constant 0 : i32
    %add3A_4 = arith.addi %mul3A_2, %add3A_3 : i32
    %run_scoped3A = arith.constant 0 : i32
    "tpu.region"() ({
      %run_scoped3A_197 = tpu.sem_alloc : memref<!tpu.dma_semaphore, #tpu.memory_space<semaphore_mem>>
      %dma_start3A_198 = arith.constant 0 : i32
      %dma_start3A_199 = tpu.memref_slice %arg5[%run_scoped3A, %dma_start3A_198] : memref<4x128xi32, #tpu.memory_space<vmem>> -> memref<1x128xi32, #tpu.memory_space<vmem>>
      %dma_start3A_200 = tpu.memref_squeeze %dma_start3A_199 : memref<1x128xi32, #tpu.memory_space<vmem>> -> memref<128xi32, #tpu.memory_space<vmem>>
      %dma_start3A_201 = tpu.memref_slice %arg2[%add3A_4] : memref<32768xi32, #tpu.memory_space<hbm>> -> memref<128xi32, #tpu.memory_space<hbm>>
      %dma_start3A_202 = arith.constant 0 : i32
      %dma_start3A_203 = tpu.memref_slice %arg5[%run_scoped3A, %dma_start3A_202] : memref<4x128xi32, #tpu.memory_space<vmem>> -> memref<1x128xi32, #tpu.memory_space<vmem>>
      %dma_start3A_204 = tpu.memref_squeeze %dma_start3A_203 : memref<1x128xi32, #tpu.memory_space<vmem>> -> memref<128xi32, #tpu.memory_space<vmem>>
      %dma_start3A_205 = tpu.memref_slice %arg2[%add3A_4] : memref<32768xi32, #tpu.memory_space<hbm>> -> memref<128xi32, #tpu.memory_space<hbm>>
      tpu.enqueue_dma source(%dma_start3A_205 : memref<128xi32, #tpu.memory_space<hbm>>) target(%dma_start3A_204 : memref<128xi32, #tpu.memory_space<vmem>>) target_semaphore(%run_scoped3A_197 : memref<!tpu.dma_semaphore, #tpu.memory_space<semaphore_mem>>)
      %dma_wait3A_206 = arith.constant 0 : i32
      %dma_wait3A_207 = tpu.memref_slice %arg5[%run_scoped3A, %dma_wait3A_206] : memref<4x128xi32, #tpu.memory_space<vmem>> -> memref<1x128xi32, #tpu.memory_space<vmem>>
      %dma_wait3A_208 = tpu.memref_squeeze %dma_wait3A_207 : memref<1x128xi32, #tpu.memory_space<vmem>> -> memref<128xi32, #tpu.memory_space<vmem>>
      %dma_wait3A_209 = tpu.memref_slice %arg2[%add3A_4] : memref<32768xi32, #tpu.memory_space<hbm>> -> memref<128xi32, #tpu.memory_space<hbm>>
      %dma_wait3A_210 = arith.constant 0 : i32
      %dma_wait3A_211 = tpu.memref_slice %arg5[%run_scoped3A, %dma_wait3A_210] : memref<4x128xi32, #tpu.memory_space<vmem>> -> memref<1x128xi32, #tpu.memory_space<vmem>>
      %dma_wait3A_212 = tpu.memref_squeeze %dma_wait3A_211 : memref<1x128xi32, #tpu.memory_space<vmem>> -> memref<128xi32, #tpu.memory_space<vmem>>
      %dma_wait3A_213 = tpu.memref_slice %arg2[%add3A_4] : memref<32768xi32, #tpu.memory_space<hbm>> -> memref<128xi32, #tpu.memory_space<hbm>>
      tpu.wait_dma2 semaphore(%run_scoped3A_197 : memref<!tpu.dma_semaphore, #tpu.memory_space<semaphore_mem>>) src(%dma_wait3A_213 : memref<128xi32, #tpu.memory_space<hbm>>) dst(%dma_wait3A_212 : memref<128xi32, #tpu.memory_space<vmem>>)
      tpu.yield
    }) : () -> ()
    %add3A_5 = arith.constant 16384 : i32
    %add3A_6 = arith.addi %add3A_5, %mul3A_2 : i32
    %add3A_7 = arith.constant 0 : i32
    %add3A_8 = arith.addi %add3A_6, %add3A_7 : i32
    %run_scoped3A_9 = arith.constant 0 : i32
    "tpu.region"() ({
      %run_scoped3A_197 = tpu.sem_alloc : memref<!tpu.dma_semaphore, #tpu.memory_space<semaphore_mem>>
      %dma_start3A_198 = arith.constant 0 : i32
      %dma_start3A_199 = tpu.memref_slice %arg6[%run_scoped3A_9, %dma_start3A_198] : memref<4x128xi32, #tpu.memory_space<vmem>> -> memref<1x128xi32, #tpu.memory_space<vmem>>
      %dma_start3A_200 = tpu.memref_squeeze %dma_start3A_199 : memref<1x128xi32, #tpu.memory_space<vmem>> -> memref<128xi32, #tpu.memory_space<vmem>>
      %dma_start3A_201 = tpu.memref_slice %arg2[%add3A_8] : memref<32768xi32, #tpu.memory_space<hbm>> -> memref<128xi32, #tpu.memory_space<hbm>>
      %dma_start3A_202 = arith.constant 0 : i32
      %dma_start3A_203 = tpu.memref_slice %arg6[%run_scoped3A_9, %dma_start3A_202] : memref<4x128xi32, #tpu.memory_space<vmem>> -> memref<1x128xi32, #tpu.memory_space<vmem>>
      %dma_start3A_204 = tpu.memref_squeeze %dma_start3A_203 : memref<1x128xi32, #tpu.memory_space<vmem>> -> memref<128xi32, #tpu.memory_space<vmem>>
      %dma_start3A_205 = tpu.memref_slice %arg2[%add3A_8] : memref<32768xi32, #tpu.memory_space<hbm>> -> memref<128xi32, #tpu.memory_space<hbm>>
      tpu.enqueue_dma source(%dma_start3A_205 : memref<128xi32, #tpu.memory_space<hbm>>) target(%dma_start3A_204 : memref<128xi32, #tpu.memory_space<vmem>>) target_semaphore(%run_scoped3A_197 : memref<!tpu.dma_semaphore, #tpu.memory_space<semaphore_mem>>)
      %dma_wait3A_206 = arith.constant 0 : i32
      %dma_wait3A_207 = tpu.memref_slice %arg6[%run_scoped3A_9, %dma_wait3A_206] : memref<4x128xi32, #tpu.memory_space<vmem>> -> memref<1x128xi32, #tpu.memory_space<vmem>>
      %dma_wait3A_208 = tpu.memref_squeeze %dma_wait3A_207 : memref<1x128xi32, #tpu.memory_space<vmem>> -> memref<128xi32, #tpu.memory_space<vmem>>
      %dma_wait3A_209 = tpu.memref_slice %arg2[%add3A_8] : memref<32768xi32, #tpu.memory_space<hbm>> -> memref<128xi32, #tpu.memory_space<hbm>>
      %dma_wait3A_210 = arith.constant 0 : i32
      %dma_wait3A_211 = tpu.memref_slice %arg6[%run_scoped3A_9, %dma_wait3A_210] : memref<4x128xi32, #tpu.memory_space<vmem>> -> memref<1x128xi32, #tpu.memory_space<vmem>>
      %dma_wait3A_212 = tpu.memref_squeeze %dma_wait3A_211 : memref<1x128xi32, #tpu.memory_space<vmem>> -> memref<128xi32, #tpu.memory_space<vmem>>
      %dma_wait3A_213 = tpu.memref_slice %arg2[%add3A_8] : memref<32768xi32, #tpu.memory_space<hbm>> -> memref<128xi32, #tpu.memory_space<hbm>>
      tpu.wait_dma2 semaphore(%run_scoped3A_197 : memref<!tpu.dma_semaphore, #tpu.memory_space<semaphore_mem>>) src(%dma_wait3A_213 : memref<128xi32, #tpu.memory_space<hbm>>) dst(%dma_wait3A_212 : memref<128xi32, #tpu.memory_space<vmem>>)
      tpu.yield
    }) : () -> ()
    %add3A_10 = arith.constant 128 : i32
    %add3A_11 = arith.addi %mul3A_2, %add3A_10 : i32
    %run_scoped3A_12 = arith.constant 1 : i32
    "tpu.region"() ({
      %run_scoped3A_197 = tpu.sem_alloc : memref<!tpu.dma_semaphore, #tpu.memory_space<semaphore_mem>>
      %dma_start3A_198 = arith.constant 0 : i32
      %dma_start3A_199 = tpu.memref_slice %arg5[%run_scoped3A_12, %dma_start3A_198] : memref<4x128xi32, #tpu.memory_space<vmem>> -> memref<1x128xi32, #tpu.memory_space<vmem>>
      %dma_start3A_200 = tpu.memref_squeeze %dma_start3A_199 : memref<1x128xi32, #tpu.memory_space<vmem>> -> memref<128xi32, #tpu.memory_space<vmem>>
      %dma_start3A_201 = tpu.memref_slice %arg2[%add3A_11] : memref<32768xi32, #tpu.memory_space<hbm>> -> memref<128xi32, #tpu.memory_space<hbm>>
      %dma_start3A_202 = arith.constant 0 : i32
      %dma_start3A_203 = tpu.memref_slice %arg5[%run_scoped3A_12, %dma_start3A_202] : memref<4x128xi32, #tpu.memory_space<vmem>> -> memref<1x128xi32, #tpu.memory_space<vmem>>
      %dma_start3A_204 = tpu.memref_squeeze %dma_start3A_203 : memref<1x128xi32, #tpu.memory_space<vmem>> -> memref<128xi32, #tpu.memory_space<vmem>>
      %dma_start3A_205 = tpu.memref_slice %arg2[%add3A_11] : memref<32768xi32, #tpu.memory_space<hbm>> -> memref<128xi32, #tpu.memory_space<hbm>>
      tpu.enqueue_dma source(%dma_start3A_205 : memref<128xi32, #tpu.memory_space<hbm>>) target(%dma_start3A_204 : memref<128xi32, #tpu.memory_space<vmem>>) target_semaphore(%run_scoped3A_197 : memref<!tpu.dma_semaphore, #tpu.memory_space<semaphore_mem>>)
      %dma_wait3A_206 = arith.constant 0 : i32
      %dma_wait3A_207 = tpu.memref_slice %arg5[%run_scoped3A_12, %dma_wait3A_206] : memref<4x128xi32, #tpu.memory_space<vmem>> -> memref<1x128xi32, #tpu.memory_space<vmem>>
      %dma_wait3A_208 = tpu.memref_squeeze %dma_wait3A_207 : memref<1x128xi32, #tpu.memory_space<vmem>> -> memref<128xi32, #tpu.memory_space<vmem>>
      %dma_wait3A_209 = tpu.memref_slice %arg2[%add3A_11] : memref<32768xi32, #tpu.memory_space<hbm>> -> memref<128xi32, #tpu.memory_space<hbm>>
      %dma_wait3A_210 = arith.constant 0 : i32
      %dma_wait3A_211 = tpu.memref_slice %arg5[%run_scoped3A_12, %dma_wait3A_210] : memref<4x128xi32, #tpu.memory_space<vmem>> -> memref<1x128xi32, #tpu.memory_space<vmem>>
      %dma_wait3A_212 = tpu.memref_squeeze %dma_wait3A_211 : memref<1x128xi32, #tpu.memory_space<vmem>> -> memref<128xi32, #tpu.memory_space<vmem>>
      %dma_wait3A_213 = tpu.memref_slice %arg2[%add3A_11] : memref<32768xi32, #tpu.memory_space<hbm>> -> memref<128xi32, #tpu.memory_space<hbm>>
      tpu.wait_dma2 semaphore(%run_scoped3A_197 : memref<!tpu.dma_semaphore, #tpu.memory_space<semaphore_mem>>) src(%dma_wait3A_213 : memref<128xi32, #tpu.memory_space<hbm>>) dst(%dma_wait3A_212 : memref<128xi32, #tpu.memory_space<vmem>>)
      tpu.yield
    }) : () -> ()
    %add3A_13 = arith.constant 16384 : i32
    %add3A_14 = arith.addi %add3A_13, %mul3A_2 : i32
    %add3A_15 = arith.constant 128 : i32
    %add3A_16 = arith.addi %add3A_14, %add3A_15 : i32
    %run_scoped3A_17 = arith.constant 1 : i32
    "tpu.region"() ({
      %run_scoped3A_197 = tpu.sem_alloc : memref<!tpu.dma_semaphore, #tpu.memory_space<semaphore_mem>>
      %dma_start3A_198 = arith.constant 0 : i32
      %dma_start3A_199 = tpu.memref_slice %arg6[%run_scoped3A_17, %dma_start3A_198] : memref<4x128xi32, #tpu.memory_space<vmem>> -> memref<1x128xi32, #tpu.memory_space<vmem>>
      %dma_start3A_200 = tpu.memref_squeeze %dma_start3A_199 : memref<1x128xi32, #tpu.memory_space<vmem>> -> memref<128xi32, #tpu.memory_space<vmem>>
      %dma_start3A_201 = tpu.memref_slice %arg2[%add3A_16] : memref<32768xi32, #tpu.memory_space<hbm>> -> memref<128xi32, #tpu.memory_space<hbm>>
      %dma_start3A_202 = arith.constant 0 : i32
      %dma_start3A_203 = tpu.memref_slice %arg6[%run_scoped3A_17, %dma_start3A_202] : memref<4x128xi32, #tpu.memory_space<vmem>> -> memref<1x128xi32, #tpu.memory_space<vmem>>
      %dma_start3A_204 = tpu.memref_squeeze %dma_start3A_203 : memref<1x128xi32, #tpu.memory_space<vmem>> -> memref<128xi32, #tpu.memory_space<vmem>>
      %dma_start3A_205 = tpu.memref_slice %arg2[%add3A_16] : memref<32768xi32, #tpu.memory_space<hbm>> -> memref<128xi32, #tpu.memory_space<hbm>>
      tpu.enqueue_dma source(%dma_start3A_205 : memref<128xi32, #tpu.memory_space<hbm>>) target(%dma_start3A_204 : memref<128xi32, #tpu.memory_space<vmem>>) target_semaphore(%run_scoped3A_197 : memref<!tpu.dma_semaphore, #tpu.memory_space<semaphore_mem>>)
      %dma_wait3A_206 = arith.constant 0 : i32
      %dma_wait3A_207 = tpu.memref_slice %arg6[%run_scoped3A_17, %dma_wait3A_206] : memref<4x128xi32, #tpu.memory_space<vmem>> -> memref<1x128xi32, #tpu.memory_space<vmem>>
      %dma_wait3A_208 = tpu.memref_squeeze %dma_wait3A_207 : memref<1x128xi32, #tpu.memory_space<vmem>> -> memref<128xi32, #tpu.memory_space<vmem>>
      %dma_wait3A_209 = tpu.memref_slice %arg2[%add3A_16] : memref<32768xi32, #tpu.memory_space<hbm>> -> memref<128xi32, #tpu.memory_space<hbm>>
      %dma_wait3A_210 = arith.constant 0 : i32
      %dma_wait3A_211 = tpu.memref_slice %arg6[%run_scoped3A_17, %dma_wait3A_210] : memref<4x128xi32, #tpu.memory_space<vmem>> -> memref<1x128xi32, #tpu.memory_space<vmem>>
      %dma_wait3A_212 = tpu.memref_squeeze %dma_wait3A_211 : memref<1x128xi32, #tpu.memory_space<vmem>> -> memref<128xi32, #tpu.memory_space<vmem>>
      %dma_wait3A_213 = tpu.memref_slice %arg2[%add3A_16] : memref<32768xi32, #tpu.memory_space<hbm>> -> memref<128xi32, #tpu.memory_space<hbm>>
      tpu.wait_dma2 semaphore(%run_scoped3A_197 : memref<!tpu.dma_semaphore, #tpu.memory_space<semaphore_mem>>) src(%dma_wait3A_213 : memref<128xi32, #tpu.memory_space<hbm>>) dst(%dma_wait3A_212 : memref<128xi32, #tpu.memory_space<vmem>>)
      tpu.yield
    }) : () -> ()
    %add3A_18 = arith.constant 256 : i32
    %add3A_19 = arith.addi %mul3A_2, %add3A_18 : i32
    %run_scoped3A_20 = arith.constant 2 : i32
    "tpu.region"() ({
      %run_scoped3A_197 = tpu.sem_alloc : memref<!tpu.dma_semaphore, #tpu.memory_space<semaphore_mem>>
      %dma_start3A_198 = arith.constant 0 : i32
      %dma_start3A_199 = tpu.memref_slice %arg5[%run_scoped3A_20, %dma_start3A_198] : memref<4x128xi32, #tpu.memory_space<vmem>> -> memref<1x128xi32, #tpu.memory_space<vmem>>
      %dma_start3A_200 = tpu.memref_squeeze %dma_start3A_199 : memref<1x128xi32, #tpu.memory_space<vmem>> -> memref<128xi32, #tpu.memory_space<vmem>>
      %dma_start3A_201 = tpu.memref_slice %arg2[%add3A_19] : memref<32768xi32, #tpu.memory_space<hbm>> -> memref<128xi32, #tpu.memory_space<hbm>>
      %dma_start3A_202 = arith.constant 0 : i32
      %dma_start3A_203 = tpu.memref_slice %arg5[%run_scoped3A_20, %dma_start3A_202] : memref<4x128xi32, #tpu.memory_space<vmem>> -> memref<1x128xi32, #tpu.memory_space<vmem>>
      %dma_start3A_204 = tpu.memref_squeeze %dma_start3A_203 : memref<1x128xi32, #tpu.memory_space<vmem>> -> memref<128xi32, #tpu.memory_space<vmem>>
      %dma_start3A_205 = tpu.memref_slice %arg2[%add3A_19] : memref<32768xi32, #tpu.memory_space<hbm>> -> memref<128xi32, #tpu.memory_space<hbm>>
      tpu.enqueue_dma source(%dma_start3A_205 : memref<128xi32, #tpu.memory_space<hbm>>) target(%dma_start3A_204 : memref<128xi32, #tpu.memory_space<vmem>>) target_semaphore(%run_scoped3A_197 : memref<!tpu.dma_semaphore, #tpu.memory_space<semaphore_mem>>)
      %dma_wait3A_206 = arith.constant 0 : i32
      %dma_wait3A_207 = tpu.memref_slice %arg5[%run_scoped3A_20, %dma_wait3A_206] : memref<4x128xi32, #tpu.memory_space<vmem>> -> memref<1x128xi32, #tpu.memory_space<vmem>>
      %dma_wait3A_208 = tpu.memref_squeeze %dma_wait3A_207 : memref<1x128xi32, #tpu.memory_space<vmem>> -> memref<128xi32, #tpu.memory_space<vmem>>
      %dma_wait3A_209 = tpu.memref_slice %arg2[%add3A_19] : memref<32768xi32, #tpu.memory_space<hbm>> -> memref<128xi32, #tpu.memory_space<hbm>>
      %dma_wait3A_210 = arith.constant 0 : i32
      %dma_wait3A_211 = tpu.memref_slice %arg5[%run_scoped3A_20, %dma_wait3A_210] : memref<4x128xi32, #tpu.memory_space<vmem>> -> memref<1x128xi32, #tpu.memory_space<vmem>>
      %dma_wait3A_212 = tpu.memref_squeeze %dma_wait3A_211 : memref<1x128xi32, #tpu.memory_space<vmem>> -> memref<128xi32, #tpu.memory_space<vmem>>
      %dma_wait3A_213 = tpu.memref_slice %arg2[%add3A_19] : memref<32768xi32, #tpu.memory_space<hbm>> -> memref<128xi32, #tpu.memory_space<hbm>>
      tpu.wait_dma2 semaphore(%run_scoped3A_197 : memref<!tpu.dma_semaphore, #tpu.memory_space<semaphore_mem>>) src(%dma_wait3A_213 : memref<128xi32, #tpu.memory_space<hbm>>) dst(%dma_wait3A_212 : memref<128xi32, #tpu.memory_space<vmem>>)
      tpu.yield
    }) : () -> ()
    %add3A_21 = arith.constant 16384 : i32
    %add3A_22 = arith.addi %add3A_21, %mul3A_2 : i32
    %add3A_23 = arith.constant 256 : i32
    %add3A_24 = arith.addi %add3A_22, %add3A_23 : i32
    %run_scoped3A_25 = arith.constant 2 : i32
    "tpu.region"() ({
      %run_scoped3A_197 = tpu.sem_alloc : memref<!tpu.dma_semaphore, #tpu.memory_space<semaphore_mem>>
      %dma_start3A_198 = arith.constant 0 : i32
      %dma_start3A_199 = tpu.memref_slice %arg6[%run_scoped3A_25, %dma_start3A_198] : memref<4x128xi32, #tpu.memory_space<vmem>> -> memref<1x128xi32, #tpu.memory_space<vmem>>
      %dma_start3A_200 = tpu.memref_squeeze %dma_start3A_199 : memref<1x128xi32, #tpu.memory_space<vmem>> -> memref<128xi32, #tpu.memory_space<vmem>>
      %dma_start3A_201 = tpu.memref_slice %arg2[%add3A_24] : memref<32768xi32, #tpu.memory_space<hbm>> -> memref<128xi32, #tpu.memory_space<hbm>>
      %dma_start3A_202 = arith.constant 0 : i32
      %dma_start3A_203 = tpu.memref_slice %arg6[%run_scoped3A_25, %dma_start3A_202] : memref<4x128xi32, #tpu.memory_space<vmem>> -> memref<1x128xi32, #tpu.memory_space<vmem>>
      %dma_start3A_204 = tpu.memref_squeeze %dma_start3A_203 : memref<1x128xi32, #tpu.memory_space<vmem>> -> memref<128xi32, #tpu.memory_space<vmem>>
      %dma_start3A_205 = tpu.memref_slice %arg2[%add3A_24] : memref<32768xi32, #tpu.memory_space<hbm>> -> memref<128xi32, #tpu.memory_space<hbm>>
      tpu.enqueue_dma source(%dma_start3A_205 : memref<128xi32, #tpu.memory_space<hbm>>) target(%dma_start3A_204 : memref<128xi32, #tpu.memory_space<vmem>>) target_semaphore(%run_scoped3A_197 : memref<!tpu.dma_semaphore, #tpu.memory_space<semaphore_mem>>)
      %dma_wait3A_206 = arith.constant 0 : i32
      %dma_wait3A_207 = tpu.memref_slice %arg6[%run_scoped3A_25, %dma_wait3A_206] : memref<4x128xi32, #tpu.memory_space<vmem>> -> memref<1x128xi32, #tpu.memory_space<vmem>>
      %dma_wait3A_208 = tpu.memref_squeeze %dma_wait3A_207 : memref<1x128xi32, #tpu.memory_space<vmem>> -> memref<128xi32, #tpu.memory_space<vmem>>
      %dma_wait3A_209 = tpu.memref_slice %arg2[%add3A_24] : memref<32768xi32, #tpu.memory_space<hbm>> -> memref<128xi32, #tpu.memory_space<hbm>>
      %dma_wait3A_210 = arith.constant 0 : i32
      %dma_wait3A_211 = tpu.memref_slice %arg6[%run_scoped3A_25, %dma_wait3A_210] : memref<4x128xi32, #tpu.memory_space<vmem>> -> memref<1x128xi32, #tpu.memory_space<vmem>>
      %dma_wait3A_212 = tpu.memref_squeeze %dma_wait3A_211 : memref<1x128xi32, #tpu.memory_space<vmem>> -> memref<128xi32, #tpu.memory_space<vmem>>
      %dma_wait3A_213 = tpu.memref_slice %arg2[%add3A_24] : memref<32768xi32, #tpu.memory_space<hbm>> -> memref<128xi32, #tpu.memory_space<hbm>>
      tpu.wait_dma2 semaphore(%run_scoped3A_197 : memref<!tpu.dma_semaphore, #tpu.memory_space<semaphore_mem>>) src(%dma_wait3A_213 : memref<128xi32, #tpu.memory_space<hbm>>) dst(%dma_wait3A_212 : memref<128xi32, #tpu.memory_space<vmem>>)
      tpu.yield
    }) : () -> ()
    %add3A_26 = arith.constant 384 : i32
    %add3A_27 = arith.addi %mul3A_2, %add3A_26 : i32
    %run_scoped3A_28 = arith.constant 3 : i32
    "tpu.region"() ({
      %run_scoped3A_197 = tpu.sem_alloc : memref<!tpu.dma_semaphore, #tpu.memory_space<semaphore_mem>>
      %dma_start3A_198 = arith.constant 0 : i32
      %dma_start3A_199 = tpu.memref_slice %arg5[%run_scoped3A_28, %dma_start3A_198] : memref<4x128xi32, #tpu.memory_space<vmem>> -> memref<1x128xi32, #tpu.memory_space<vmem>>
      %dma_start3A_200 = tpu.memref_squeeze %dma_start3A_199 : memref<1x128xi32, #tpu.memory_space<vmem>> -> memref<128xi32, #tpu.memory_space<vmem>>
      %dma_start3A_201 = tpu.memref_slice %arg2[%add3A_27] : memref<32768xi32, #tpu.memory_space<hbm>> -> memref<128xi32, #tpu.memory_space<hbm>>
      %dma_start3A_202 = arith.constant 0 : i32
      %dma_start3A_203 = tpu.memref_slice %arg5[%run_scoped3A_28, %dma_start3A_202] : memref<4x128xi32, #tpu.memory_space<vmem>> -> memref<1x128xi32, #tpu.memory_space<vmem>>
      %dma_start3A_204 = tpu.memref_squeeze %dma_start3A_203 : memref<1x128xi32, #tpu.memory_space<vmem>> -> memref<128xi32, #tpu.memory_space<vmem>>
      %dma_start3A_205 = tpu.memref_slice %arg2[%add3A_27] : memref<32768xi32, #tpu.memory_space<hbm>> -> memref<128xi32, #tpu.memory_space<hbm>>
      tpu.enqueue_dma source(%dma_start3A_205 : memref<128xi32, #tpu.memory_space<hbm>>) target(%dma_start3A_204 : memref<128xi32, #tpu.memory_space<vmem>>) target_semaphore(%run_scoped3A_197 : memref<!tpu.dma_semaphore, #tpu.memory_space<semaphore_mem>>)
      %dma_wait3A_206 = arith.constant 0 : i32
      %dma_wait3A_207 = tpu.memref_slice %arg5[%run_scoped3A_28, %dma_wait3A_206] : memref<4x128xi32, #tpu.memory_space<vmem>> -> memref<1x128xi32, #tpu.memory_space<vmem>>
      %dma_wait3A_208 = tpu.memref_squeeze %dma_wait3A_207 : memref<1x128xi32, #tpu.memory_space<vmem>> -> memref<128xi32, #tpu.memory_space<vmem>>
      %dma_wait3A_209 = tpu.memref_slice %arg2[%add3A_27] : memref<32768xi32, #tpu.memory_space<hbm>> -> memref<128xi32, #tpu.memory_space<hbm>>
      %dma_wait3A_210 = arith.constant 0 : i32
      %dma_wait3A_211 = tpu.memref_slice %arg5[%run_scoped3A_28, %dma_wait3A_210] : memref<4x128xi32, #tpu.memory_space<vmem>> -> memref<1x128xi32, #tpu.memory_space<vmem>>
      %dma_wait3A_212 = tpu.memref_squeeze %dma_wait3A_211 : memref<1x128xi32, #tpu.memory_space<vmem>> -> memref<128xi32, #tpu.memory_space<vmem>>
      %dma_wait3A_213 = tpu.memref_slice %arg2[%add3A_27] : memref<32768xi32, #tpu.memory_space<hbm>> -> memref<128xi32, #tpu.memory_space<hbm>>
      tpu.wait_dma2 semaphore(%run_scoped3A_197 : memref<!tpu.dma_semaphore, #tpu.memory_space<semaphore_mem>>) src(%dma_wait3A_213 : memref<128xi32, #tpu.memory_space<hbm>>) dst(%dma_wait3A_212 : memref<128xi32, #tpu.memory_space<vmem>>)
      tpu.yield
    }) : () -> ()
    %add3A_29 = arith.constant 16384 : i32
    %add3A_30 = arith.addi %add3A_29, %mul3A_2 : i32
    %add3A_31 = arith.constant 384 : i32
    %add3A_32 = arith.addi %add3A_30, %add3A_31 : i32
    %run_scoped3A_33 = arith.constant 3 : i32
    "tpu.region"() ({
      %run_scoped3A_197 = tpu.sem_alloc : memref<!tpu.dma_semaphore, #tpu.memory_space<semaphore_mem>>
      %dma_start3A_198 = arith.constant 0 : i32
      %dma_start3A_199 = tpu.memref_slice %arg6[%run_scoped3A_33, %dma_start3A_198] : memref<4x128xi32, #tpu.memory_space<vmem>> -> memref<1x128xi32, #tpu.memory_space<vmem>>
      %dma_start3A_200 = tpu.memref_squeeze %dma_start3A_199 : memref<1x128xi32, #tpu.memory_space<vmem>> -> memref<128xi32, #tpu.memory_space<vmem>>
      %dma_start3A_201 = tpu.memref_slice %arg2[%add3A_32] : memref<32768xi32, #tpu.memory_space<hbm>> -> memref<128xi32, #tpu.memory_space<hbm>>
      %dma_start3A_202 = arith.constant 0 : i32
      %dma_start3A_203 = tpu.memref_slice %arg6[%run_scoped3A_33, %dma_start3A_202] : memref<4x128xi32, #tpu.memory_space<vmem>> -> memref<1x128xi32, #tpu.memory_space<vmem>>
      %dma_start3A_204 = tpu.memref_squeeze %dma_start3A_203 : memref<1x128xi32, #tpu.memory_space<vmem>> -> memref<128xi32, #tpu.memory_space<vmem>>
      %dma_start3A_205 = tpu.memref_slice %arg2[%add3A_32] : memref<32768xi32, #tpu.memory_space<hbm>> -> memref<128xi32, #tpu.memory_space<hbm>>
      tpu.enqueue_dma source(%dma_start3A_205 : memref<128xi32, #tpu.memory_space<hbm>>) target(%dma_start3A_204 : memref<128xi32, #tpu.memory_space<vmem>>) target_semaphore(%run_scoped3A_197 : memref<!tpu.dma_semaphore, #tpu.memory_space<semaphore_mem>>)
      %dma_wait3A_206 = arith.constant 0 : i32
      %dma_wait3A_207 = tpu.memref_slice %arg6[%run_scoped3A_33, %dma_wait3A_206] : memref<4x128xi32, #tpu.memory_space<vmem>> -> memref<1x128xi32, #tpu.memory_space<vmem>>
      %dma_wait3A_208 = tpu.memref_squeeze %dma_wait3A_207 : memref<1x128xi32, #tpu.memory_space<vmem>> -> memref<128xi32, #tpu.memory_space<vmem>>
      %dma_wait3A_209 = tpu.memref_slice %arg2[%add3A_32] : memref<32768xi32, #tpu.memory_space<hbm>> -> memref<128xi32, #tpu.memory_space<hbm>>
      %dma_wait3A_210 = arith.constant 0 : i32
      %dma_wait3A_211 = tpu.memref_slice %arg6[%run_scoped3A_33, %dma_wait3A_210] : memref<4x128xi32, #tpu.memory_space<vmem>> -> memref<1x128xi32, #tpu.memory_space<vmem>>
      %dma_wait3A_212 = tpu.memref_squeeze %dma_wait3A_211 : memref<1x128xi32, #tpu.memory_space<vmem>> -> memref<128xi32, #tpu.memory_space<vmem>>
      %dma_wait3A_213 = tpu.memref_slice %arg2[%add3A_32] : memref<32768xi32, #tpu.memory_space<hbm>> -> memref<128xi32, #tpu.memory_space<hbm>>
      tpu.wait_dma2 semaphore(%run_scoped3A_197 : memref<!tpu.dma_semaphore, #tpu.memory_space<semaphore_mem>>) src(%dma_wait3A_213 : memref<128xi32, #tpu.memory_space<hbm>>) dst(%dma_wait3A_212 : memref<128xi32, #tpu.memory_space<vmem>>)
      tpu.yield
    }) : () -> ()
    %dma_start3A = arith.constant 0 : i32
    %dma_start3A_34 = arith.constant 0 : i32
    %dma_start3A_35 = arith.constant 0 : i32
    %dma_start3A_36 = tpu.memref_slice %arg7[%dma_start3A_34, %dma_start3A_35] : memref<512x64xf32, #tpu.memory_space<vmem>> -> memref<128x64xf32, #tpu.memory_space<vmem>>
    %dma_start3A_37 = arith.constant 0 : i32
    %dma_start3A_38 = tpu.memref_slice %arg5[%dma_start3A, %dma_start3A_37] : memref<4x128xi32, #tpu.memory_space<vmem>> -> memref<1x128xi32, #tpu.memory_space<vmem>>
    %dma_start3A_39 = tpu.memref_squeeze %dma_start3A_38 : memref<1x128xi32, #tpu.memory_space<vmem>> -> memref<128xi32, #tpu.memory_space<vmem>>
    %dma_start3A_40 = arith.constant 0 : i32
    %dma_start3A_41 = arith.constant 0 : i32
    %dma_start3A_42 = tpu.memref_slice %arg3[%dma_start3A_40, %dma_start3A_41] : memref<100000x64xf32, #tpu.memory_space<hbm>> -> memref<100000x64xf32, #tpu.memory_space<hbm>>
    tpu.enqueue_indirect_dma source(%dma_start3A_42 : memref<100000x64xf32, #tpu.memory_space<hbm>>) target(%dma_start3A_36 : memref<128x64xf32, #tpu.memory_space<vmem>>) offsets(%dma_start3A_39 : memref<128xi32, #tpu.memory_space<vmem>>) semaphore(%arg11 : memref<!tpu.dma_semaphore, #tpu.memory_space<semaphore_mem>>)
    %dma_start3A_43 = arith.constant 0 : i32
    %dma_start3A_44 = arith.constant 0 : i32
    %dma_start3A_45 = arith.constant 0 : i32
    %dma_start3A_46 = tpu.memref_slice %arg8[%dma_start3A_44, %dma_start3A_45] : memref<512x64xf32, #tpu.memory_space<vmem>> -> memref<128x64xf32, #tpu.memory_space<vmem>>
    %dma_start3A_47 = arith.constant 0 : i32
    %dma_start3A_48 = tpu.memref_slice %arg6[%dma_start3A_43, %dma_start3A_47] : memref<4x128xi32, #tpu.memory_space<vmem>> -> memref<1x128xi32, #tpu.memory_space<vmem>>
    %dma_start3A_49 = tpu.memref_squeeze %dma_start3A_48 : memref<1x128xi32, #tpu.memory_space<vmem>> -> memref<128xi32, #tpu.memory_space<vmem>>
    %dma_start3A_50 = arith.constant 0 : i32
    %dma_start3A_51 = arith.constant 0 : i32
    %dma_start3A_52 = tpu.memref_slice %arg3[%dma_start3A_50, %dma_start3A_51] : memref<100000x64xf32, #tpu.memory_space<hbm>> -> memref<100000x64xf32, #tpu.memory_space<hbm>>
    tpu.enqueue_indirect_dma source(%dma_start3A_52 : memref<100000x64xf32, #tpu.memory_space<hbm>>) target(%dma_start3A_46 : memref<128x64xf32, #tpu.memory_space<vmem>>) offsets(%dma_start3A_49 : memref<128xi32, #tpu.memory_space<vmem>>) semaphore(%arg11 : memref<!tpu.dma_semaphore, #tpu.memory_space<semaphore_mem>>)
    %dma_start3A_53 = arith.constant 1 : i32
    %dma_start3A_54 = arith.constant 128 : i32
    %dma_start3A_55 = arith.constant 0 : i32
    %dma_start3A_56 = tpu.memref_slice %arg7[%dma_start3A_54, %dma_start3A_55] : memref<512x64xf32, #tpu.memory_space<vmem>> -> memref<128x64xf32, #tpu.memory_space<vmem>>
    %dma_start3A_57 = arith.constant 0 : i32
    %dma_start3A_58 = tpu.memref_slice %arg5[%dma_start3A_53, %dma_start3A_57] : memref<4x128xi32, #tpu.memory_space<vmem>> -> memref<1x128xi32, #tpu.memory_space<vmem>>
    %dma_start3A_59 = tpu.memref_squeeze %dma_start3A_58 : memref<1x128xi32, #tpu.memory_space<vmem>> -> memref<128xi32, #tpu.memory_space<vmem>>
    %dma_start3A_60 = arith.constant 0 : i32
    %dma_start3A_61 = arith.constant 0 : i32
    %dma_start3A_62 = tpu.memref_slice %arg3[%dma_start3A_60, %dma_start3A_61] : memref<100000x64xf32, #tpu.memory_space<hbm>> -> memref<100000x64xf32, #tpu.memory_space<hbm>>
    tpu.enqueue_indirect_dma source(%dma_start3A_62 : memref<100000x64xf32, #tpu.memory_space<hbm>>) target(%dma_start3A_56 : memref<128x64xf32, #tpu.memory_space<vmem>>) offsets(%dma_start3A_59 : memref<128xi32, #tpu.memory_space<vmem>>) semaphore(%arg11 : memref<!tpu.dma_semaphore, #tpu.memory_space<semaphore_mem>>)
    %dma_start3A_63 = arith.constant 1 : i32
    %dma_start3A_64 = arith.constant 128 : i32
    %dma_start3A_65 = arith.constant 0 : i32
    %dma_start3A_66 = tpu.memref_slice %arg8[%dma_start3A_64, %dma_start3A_65] : memref<512x64xf32, #tpu.memory_space<vmem>> -> memref<128x64xf32, #tpu.memory_space<vmem>>
    %dma_start3A_67 = arith.constant 0 : i32
    %dma_start3A_68 = tpu.memref_slice %arg6[%dma_start3A_63, %dma_start3A_67] : memref<4x128xi32, #tpu.memory_space<vmem>> -> memref<1x128xi32, #tpu.memory_space<vmem>>
    %dma_start3A_69 = tpu.memref_squeeze %dma_start3A_68 : memref<1x128xi32, #tpu.memory_space<vmem>> -> memref<128xi32, #tpu.memory_space<vmem>>
    %dma_start3A_70 = arith.constant 0 : i32
    %dma_start3A_71 = arith.constant 0 : i32
    %dma_start3A_72 = tpu.memref_slice %arg3[%dma_start3A_70, %dma_start3A_71] : memref<100000x64xf32, #tpu.memory_space<hbm>> -> memref<100000x64xf32, #tpu.memory_space<hbm>>
    tpu.enqueue_indirect_dma source(%dma_start3A_72 : memref<100000x64xf32, #tpu.memory_space<hbm>>) target(%dma_start3A_66 : memref<128x64xf32, #tpu.memory_space<vmem>>) offsets(%dma_start3A_69 : memref<128xi32, #tpu.memory_space<vmem>>) semaphore(%arg11 : memref<!tpu.dma_semaphore, #tpu.memory_space<semaphore_mem>>)
    %dma_start3A_73 = arith.constant 2 : i32
    %dma_start3A_74 = arith.constant 256 : i32
    %dma_start3A_75 = arith.constant 0 : i32
    %dma_start3A_76 = tpu.memref_slice %arg7[%dma_start3A_74, %dma_start3A_75] : memref<512x64xf32, #tpu.memory_space<vmem>> -> memref<128x64xf32, #tpu.memory_space<vmem>>
    %dma_start3A_77 = arith.constant 0 : i32
    %dma_start3A_78 = tpu.memref_slice %arg5[%dma_start3A_73, %dma_start3A_77] : memref<4x128xi32, #tpu.memory_space<vmem>> -> memref<1x128xi32, #tpu.memory_space<vmem>>
    %dma_start3A_79 = tpu.memref_squeeze %dma_start3A_78 : memref<1x128xi32, #tpu.memory_space<vmem>> -> memref<128xi32, #tpu.memory_space<vmem>>
    %dma_start3A_80 = arith.constant 0 : i32
    %dma_start3A_81 = arith.constant 0 : i32
    %dma_start3A_82 = tpu.memref_slice %arg3[%dma_start3A_80, %dma_start3A_81] : memref<100000x64xf32, #tpu.memory_space<hbm>> -> memref<100000x64xf32, #tpu.memory_space<hbm>>
    tpu.enqueue_indirect_dma source(%dma_start3A_82 : memref<100000x64xf32, #tpu.memory_space<hbm>>) target(%dma_start3A_76 : memref<128x64xf32, #tpu.memory_space<vmem>>) offsets(%dma_start3A_79 : memref<128xi32, #tpu.memory_space<vmem>>) semaphore(%arg11 : memref<!tpu.dma_semaphore, #tpu.memory_space<semaphore_mem>>)
    %dma_start3A_83 = arith.constant 2 : i32
    %dma_start3A_84 = arith.constant 256 : i32
    %dma_start3A_85 = arith.constant 0 : i32
    %dma_start3A_86 = tpu.memref_slice %arg8[%dma_start3A_84, %dma_start3A_85] : memref<512x64xf32, #tpu.memory_space<vmem>> -> memref<128x64xf32, #tpu.memory_space<vmem>>
    %dma_start3A_87 = arith.constant 0 : i32
    %dma_start3A_88 = tpu.memref_slice %arg6[%dma_start3A_83, %dma_start3A_87] : memref<4x128xi32, #tpu.memory_space<vmem>> -> memref<1x128xi32, #tpu.memory_space<vmem>>
    %dma_start3A_89 = tpu.memref_squeeze %dma_start3A_88 : memref<1x128xi32, #tpu.memory_space<vmem>> -> memref<128xi32, #tpu.memory_space<vmem>>
    %dma_start3A_90 = arith.constant 0 : i32
    %dma_start3A_91 = arith.constant 0 : i32
    %dma_start3A_92 = tpu.memref_slice %arg3[%dma_start3A_90, %dma_start3A_91] : memref<100000x64xf32, #tpu.memory_space<hbm>> -> memref<100000x64xf32, #tpu.memory_space<hbm>>
    tpu.enqueue_indirect_dma source(%dma_start3A_92 : memref<100000x64xf32, #tpu.memory_space<hbm>>) target(%dma_start3A_86 : memref<128x64xf32, #tpu.memory_space<vmem>>) offsets(%dma_start3A_89 : memref<128xi32, #tpu.memory_space<vmem>>) semaphore(%arg11 : memref<!tpu.dma_semaphore, #tpu.memory_space<semaphore_mem>>)
    %dma_start3A_93 = arith.constant 3 : i32
    %dma_start3A_94 = arith.constant 384 : i32
    %dma_start3A_95 = arith.constant 0 : i32
    %dma_start3A_96 = tpu.memref_slice %arg7[%dma_start3A_94, %dma_start3A_95] : memref<512x64xf32, #tpu.memory_space<vmem>> -> memref<128x64xf32, #tpu.memory_space<vmem>>
    %dma_start3A_97 = arith.constant 0 : i32
    %dma_start3A_98 = tpu.memref_slice %arg5[%dma_start3A_93, %dma_start3A_97] : memref<4x128xi32, #tpu.memory_space<vmem>> -> memref<1x128xi32, #tpu.memory_space<vmem>>
    %dma_start3A_99 = tpu.memref_squeeze %dma_start3A_98 : memref<1x128xi32, #tpu.memory_space<vmem>> -> memref<128xi32, #tpu.memory_space<vmem>>
    %dma_start3A_100 = arith.constant 0 : i32
    %dma_start3A_101 = arith.constant 0 : i32
    %dma_start3A_102 = tpu.memref_slice %arg3[%dma_start3A_100, %dma_start3A_101] : memref<100000x64xf32, #tpu.memory_space<hbm>> -> memref<100000x64xf32, #tpu.memory_space<hbm>>
    tpu.enqueue_indirect_dma source(%dma_start3A_102 : memref<100000x64xf32, #tpu.memory_space<hbm>>) target(%dma_start3A_96 : memref<128x64xf32, #tpu.memory_space<vmem>>) offsets(%dma_start3A_99 : memref<128xi32, #tpu.memory_space<vmem>>) semaphore(%arg11 : memref<!tpu.dma_semaphore, #tpu.memory_space<semaphore_mem>>)
    %dma_start3A_103 = arith.constant 3 : i32
    %dma_start3A_104 = arith.constant 384 : i32
    %dma_start3A_105 = arith.constant 0 : i32
    %dma_start3A_106 = tpu.memref_slice %arg8[%dma_start3A_104, %dma_start3A_105] : memref<512x64xf32, #tpu.memory_space<vmem>> -> memref<128x64xf32, #tpu.memory_space<vmem>>
    %dma_start3A_107 = arith.constant 0 : i32
    %dma_start3A_108 = tpu.memref_slice %arg6[%dma_start3A_103, %dma_start3A_107] : memref<4x128xi32, #tpu.memory_space<vmem>> -> memref<1x128xi32, #tpu.memory_space<vmem>>
    %dma_start3A_109 = tpu.memref_squeeze %dma_start3A_108 : memref<1x128xi32, #tpu.memory_space<vmem>> -> memref<128xi32, #tpu.memory_space<vmem>>
    %dma_start3A_110 = arith.constant 0 : i32
    %dma_start3A_111 = arith.constant 0 : i32
    %dma_start3A_112 = tpu.memref_slice %arg3[%dma_start3A_110, %dma_start3A_111] : memref<100000x64xf32, #tpu.memory_space<hbm>> -> memref<100000x64xf32, #tpu.memory_space<hbm>>
    tpu.enqueue_indirect_dma source(%dma_start3A_112 : memref<100000x64xf32, #tpu.memory_space<hbm>>) target(%dma_start3A_106 : memref<128x64xf32, #tpu.memory_space<vmem>>) offsets(%dma_start3A_109 : memref<128xi32, #tpu.memory_space<vmem>>) semaphore(%arg11 : memref<!tpu.dma_semaphore, #tpu.memory_space<semaphore_mem>>)
    %dma_wait3A = arith.constant 0 : i32
    %dma_wait3A_113 = arith.constant 0 : i32
    %dma_wait3A_114 = arith.constant 0 : i32
    %dma_wait3A_115 = tpu.memref_slice %arg7[%dma_wait3A_113, %dma_wait3A_114] : memref<512x64xf32, #tpu.memory_space<vmem>> -> memref<128x64xf32, #tpu.memory_space<vmem>>
    %dma_wait3A_116 = arith.constant 0 : i32
    %dma_wait3A_117 = tpu.memref_slice %arg5[%dma_wait3A, %dma_wait3A_116] : memref<4x128xi32, #tpu.memory_space<vmem>> -> memref<1x128xi32, #tpu.memory_space<vmem>>
    %dma_wait3A_118 = tpu.memref_squeeze %dma_wait3A_117 : memref<1x128xi32, #tpu.memory_space<vmem>> -> memref<128xi32, #tpu.memory_space<vmem>>
    %dma_wait3A_119 = arith.constant 0 : i32
    %dma_wait3A_120 = arith.constant 0 : i32
    %dma_wait3A_121 = tpu.memref_slice %arg3[%dma_wait3A_119, %dma_wait3A_120] : memref<100000x64xf32, #tpu.memory_space<hbm>> -> memref<100000x64xf32, #tpu.memory_space<hbm>>
    tpu.wait_indirect_dma semaphore(%arg11 : memref<!tpu.dma_semaphore, #tpu.memory_space<semaphore_mem>>) src(%dma_wait3A_121 : memref<100000x64xf32, #tpu.memory_space<hbm>>) dst(%dma_wait3A_115 : memref<128x64xf32, #tpu.memory_space<vmem>>)
    %dma_wait3A_122 = arith.constant 0 : i32
    %dma_wait3A_123 = arith.constant 0 : i32
    %dma_wait3A_124 = arith.constant 0 : i32
    %dma_wait3A_125 = tpu.memref_slice %arg8[%dma_wait3A_123, %dma_wait3A_124] : memref<512x64xf32, #tpu.memory_space<vmem>> -> memref<128x64xf32, #tpu.memory_space<vmem>>
    %dma_wait3A_126 = arith.constant 0 : i32
    %dma_wait3A_127 = tpu.memref_slice %arg6[%dma_wait3A_122, %dma_wait3A_126] : memref<4x128xi32, #tpu.memory_space<vmem>> -> memref<1x128xi32, #tpu.memory_space<vmem>>
    %dma_wait3A_128 = tpu.memref_squeeze %dma_wait3A_127 : memref<1x128xi32, #tpu.memory_space<vmem>> -> memref<128xi32, #tpu.memory_space<vmem>>
    %dma_wait3A_129 = arith.constant 0 : i32
    %dma_wait3A_130 = arith.constant 0 : i32
    %dma_wait3A_131 = tpu.memref_slice %arg3[%dma_wait3A_129, %dma_wait3A_130] : memref<100000x64xf32, #tpu.memory_space<hbm>> -> memref<100000x64xf32, #tpu.memory_space<hbm>>
    tpu.wait_indirect_dma semaphore(%arg11 : memref<!tpu.dma_semaphore, #tpu.memory_space<semaphore_mem>>) src(%dma_wait3A_131 : memref<100000x64xf32, #tpu.memory_space<hbm>>) dst(%dma_wait3A_125 : memref<128x64xf32, #tpu.memory_space<vmem>>)
    %dma_wait3A_132 = arith.constant 1 : i32
    %dma_wait3A_133 = arith.constant 128 : i32
    %dma_wait3A_134 = arith.constant 0 : i32
    %dma_wait3A_135 = tpu.memref_slice %arg7[%dma_wait3A_133, %dma_wait3A_134] : memref<512x64xf32, #tpu.memory_space<vmem>> -> memref<128x64xf32, #tpu.memory_space<vmem>>
    %dma_wait3A_136 = arith.constant 0 : i32
    %dma_wait3A_137 = tpu.memref_slice %arg5[%dma_wait3A_132, %dma_wait3A_136] : memref<4x128xi32, #tpu.memory_space<vmem>> -> memref<1x128xi32, #tpu.memory_space<vmem>>
    %dma_wait3A_138 = tpu.memref_squeeze %dma_wait3A_137 : memref<1x128xi32, #tpu.memory_space<vmem>> -> memref<128xi32, #tpu.memory_space<vmem>>
    %dma_wait3A_139 = arith.constant 0 : i32
    %dma_wait3A_140 = arith.constant 0 : i32
    %dma_wait3A_141 = tpu.memref_slice %arg3[%dma_wait3A_139, %dma_wait3A_140] : memref<100000x64xf32, #tpu.memory_space<hbm>> -> memref<100000x64xf32, #tpu.memory_space<hbm>>
    tpu.wait_indirect_dma semaphore(%arg11 : memref<!tpu.dma_semaphore, #tpu.memory_space<semaphore_mem>>) src(%dma_wait3A_141 : memref<100000x64xf32, #tpu.memory_space<hbm>>) dst(%dma_wait3A_135 : memref<128x64xf32, #tpu.memory_space<vmem>>)
    %dma_wait3A_142 = arith.constant 1 : i32
    %dma_wait3A_143 = arith.constant 128 : i32
    %dma_wait3A_144 = arith.constant 0 : i32
    %dma_wait3A_145 = tpu.memref_slice %arg8[%dma_wait3A_143, %dma_wait3A_144] : memref<512x64xf32, #tpu.memory_space<vmem>> -> memref<128x64xf32, #tpu.memory_space<vmem>>
    %dma_wait3A_146 = arith.constant 0 : i32
    %dma_wait3A_147 = tpu.memref_slice %arg6[%dma_wait3A_142, %dma_wait3A_146] : memref<4x128xi32, #tpu.memory_space<vmem>> -> memref<1x128xi32, #tpu.memory_space<vmem>>
    %dma_wait3A_148 = tpu.memref_squeeze %dma_wait3A_147 : memref<1x128xi32, #tpu.memory_space<vmem>> -> memref<128xi32, #tpu.memory_space<vmem>>
    %dma_wait3A_149 = arith.constant 0 : i32
    %dma_wait3A_150 = arith.constant 0 : i32
    %dma_wait3A_151 = tpu.memref_slice %arg3[%dma_wait3A_149, %dma_wait3A_150] : memref<100000x64xf32, #tpu.memory_space<hbm>> -> memref<100000x64xf32, #tpu.memory_space<hbm>>
    tpu.wait_indirect_dma semaphore(%arg11 : memref<!tpu.dma_semaphore, #tpu.memory_space<semaphore_mem>>) src(%dma_wait3A_151 : memref<100000x64xf32, #tpu.memory_space<hbm>>) dst(%dma_wait3A_145 : memref<128x64xf32, #tpu.memory_space<vmem>>)
    %dma_wait3A_152 = arith.constant 2 : i32
    %dma_wait3A_153 = arith.constant 256 : i32
    %dma_wait3A_154 = arith.constant 0 : i32
    %dma_wait3A_155 = tpu.memref_slice %arg7[%dma_wait3A_153, %dma_wait3A_154] : memref<512x64xf32, #tpu.memory_space<vmem>> -> memref<128x64xf32, #tpu.memory_space<vmem>>
    %dma_wait3A_156 = arith.constant 0 : i32
    %dma_wait3A_157 = tpu.memref_slice %arg5[%dma_wait3A_152, %dma_wait3A_156] : memref<4x128xi32, #tpu.memory_space<vmem>> -> memref<1x128xi32, #tpu.memory_space<vmem>>
    %dma_wait3A_158 = tpu.memref_squeeze %dma_wait3A_157 : memref<1x128xi32, #tpu.memory_space<vmem>> -> memref<128xi32, #tpu.memory_space<vmem>>
    %dma_wait3A_159 = arith.constant 0 : i32
    %dma_wait3A_160 = arith.constant 0 : i32
    %dma_wait3A_161 = tpu.memref_slice %arg3[%dma_wait3A_159, %dma_wait3A_160] : memref<100000x64xf32, #tpu.memory_space<hbm>> -> memref<100000x64xf32, #tpu.memory_space<hbm>>
    tpu.wait_indirect_dma semaphore(%arg11 : memref<!tpu.dma_semaphore, #tpu.memory_space<semaphore_mem>>) src(%dma_wait3A_161 : memref<100000x64xf32, #tpu.memory_space<hbm>>) dst(%dma_wait3A_155 : memref<128x64xf32, #tpu.memory_space<vmem>>)
    %dma_wait3A_162 = arith.constant 2 : i32
    %dma_wait3A_163 = arith.constant 256 : i32
    %dma_wait3A_164 = arith.constant 0 : i32
    %dma_wait3A_165 = tpu.memref_slice %arg8[%dma_wait3A_163, %dma_wait3A_164] : memref<512x64xf32, #tpu.memory_space<vmem>> -> memref<128x64xf32, #tpu.memory_space<vmem>>
    %dma_wait3A_166 = arith.constant 0 : i32
    %dma_wait3A_167 = tpu.memref_slice %arg6[%dma_wait3A_162, %dma_wait3A_166] : memref<4x128xi32, #tpu.memory_space<vmem>> -> memref<1x128xi32, #tpu.memory_space<vmem>>
    %dma_wait3A_168 = tpu.memref_squeeze %dma_wait3A_167 : memref<1x128xi32, #tpu.memory_space<vmem>> -> memref<128xi32, #tpu.memory_space<vmem>>
    %dma_wait3A_169 = arith.constant 0 : i32
    %dma_wait3A_170 = arith.constant 0 : i32
    %dma_wait3A_171 = tpu.memref_slice %arg3[%dma_wait3A_169, %dma_wait3A_170] : memref<100000x64xf32, #tpu.memory_space<hbm>> -> memref<100000x64xf32, #tpu.memory_space<hbm>>
    tpu.wait_indirect_dma semaphore(%arg11 : memref<!tpu.dma_semaphore, #tpu.memory_space<semaphore_mem>>) src(%dma_wait3A_171 : memref<100000x64xf32, #tpu.memory_space<hbm>>) dst(%dma_wait3A_165 : memref<128x64xf32, #tpu.memory_space<vmem>>)
    %dma_wait3A_172 = arith.constant 3 : i32
    %dma_wait3A_173 = arith.constant 384 : i32
    %dma_wait3A_174 = arith.constant 0 : i32
    %dma_wait3A_175 = tpu.memref_slice %arg7[%dma_wait3A_173, %dma_wait3A_174] : memref<512x64xf32, #tpu.memory_space<vmem>> -> memref<128x64xf32, #tpu.memory_space<vmem>>
    %dma_wait3A_176 = arith.constant 0 : i32
    %dma_wait3A_177 = tpu.memref_slice %arg5[%dma_wait3A_172, %dma_wait3A_176] : memref<4x128xi32, #tpu.memory_space<vmem>> -> memref<1x128xi32, #tpu.memory_space<vmem>>
    %dma_wait3A_178 = tpu.memref_squeeze %dma_wait3A_177 : memref<1x128xi32, #tpu.memory_space<vmem>> -> memref<128xi32, #tpu.memory_space<vmem>>
    %dma_wait3A_179 = arith.constant 0 : i32
    %dma_wait3A_180 = arith.constant 0 : i32
    %dma_wait3A_181 = tpu.memref_slice %arg3[%dma_wait3A_179, %dma_wait3A_180] : memref<100000x64xf32, #tpu.memory_space<hbm>> -> memref<100000x64xf32, #tpu.memory_space<hbm>>
    tpu.wait_indirect_dma semaphore(%arg11 : memref<!tpu.dma_semaphore, #tpu.memory_space<semaphore_mem>>) src(%dma_wait3A_181 : memref<100000x64xf32, #tpu.memory_space<hbm>>) dst(%dma_wait3A_175 : memref<128x64xf32, #tpu.memory_space<vmem>>)
    %dma_wait3A_182 = arith.constant 3 : i32
    %dma_wait3A_183 = arith.constant 384 : i32
    %dma_wait3A_184 = arith.constant 0 : i32
    %dma_wait3A_185 = tpu.memref_slice %arg8[%dma_wait3A_183, %dma_wait3A_184] : memref<512x64xf32, #tpu.memory_space<vmem>> -> memref<128x64xf32, #tpu.memory_space<vmem>>
    %dma_wait3A_186 = arith.constant 0 : i32
    %dma_wait3A_187 = tpu.memref_slice %arg6[%dma_wait3A_182, %dma_wait3A_186] : memref<4x128xi32, #tpu.memory_space<vmem>> -> memref<1x128xi32, #tpu.memory_space<vmem>>
    %dma_wait3A_188 = tpu.memref_squeeze %dma_wait3A_187 : memref<1x128xi32, #tpu.memory_space<vmem>> -> memref<128xi32, #tpu.memory_space<vmem>>
    %dma_wait3A_189 = arith.constant 0 : i32
    %dma_wait3A_190 = arith.constant 0 : i32
    %dma_wait3A_191 = tpu.memref_slice %arg3[%dma_wait3A_189, %dma_wait3A_190] : memref<100000x64xf32, #tpu.memory_space<hbm>> -> memref<100000x64xf32, #tpu.memory_space<hbm>>
    tpu.wait_indirect_dma semaphore(%arg11 : memref<!tpu.dma_semaphore, #tpu.memory_space<semaphore_mem>>) src(%dma_wait3A_191 : memref<100000x64xf32, #tpu.memory_space<hbm>>) dst(%dma_wait3A_185 : memref<128x64xf32, #tpu.memory_space<vmem>>)
    %iota3A = tpu.iota {dimensions = array<i32: 0>} : vector<16xi32>
    %scan3A = arith.constant 0 : i32
    %scan3A_192 = arith.constant 0 : i32
    %scan3A_193 = arith.constant 32 : i32
    %scan3A_194 = arith.addi %scan3A_192, %scan3A_193 : i32
    %scan3A_195 = arith.constant 1 : i32
    scf.for %scan3A_197 = %scan3A_192 to %scan3A_194 step %scan3A_195  : i32 {
      %mul3A_198 = arith.constant 16 : i32
      %mul3A_199 = arith.muli %scan3A_197, %mul3A_198 : i32
      %add3A_200 = arith.constant 0 : i32
      %add3A_201 = arith.addi %mul3A_199, %add3A_200 : i32
      %broadcast_in_dim3A = arith.constant 0.000000e+00 : f32
      %broadcast_in_dim3A_202 = vector.broadcast %broadcast_in_dim3A : f32 to vector<16xf32>
      %get3A = arith.index_cast %add3A_201 : i32 to index
      %get3A_203 = arith.constant 0 : index
      %get3A_204 = tpu.vector_load %arg7[%get3A, %get3A_203] {strides = array<i32>} : memref<512x64xf32, #tpu.memory_space<vmem>>, vector<16xf32>,
      %get3A_205 = arith.index_cast %add3A_201 : i32 to index
      %get3A_206 = arith.constant 0 : index
      %get3A_207 = tpu.vector_load %arg8[%get3A_205, %get3A_206] {strides = array<i32>} : memref<512x64xf32, #tpu.memory_space<vmem>>, vector<16xf32>,
      %mul3A_208 = arith.mulf %get3A_204, %get3A_207 : vector<16xf32>
      %add3A_209 = arith.addf %broadcast_in_dim3A_202, %mul3A_208 : vector<16xf32>
      %get3A_210 = arith.index_cast %add3A_201 : i32 to index
      %get3A_211 = arith.constant 16 : index
      %get3A_212 = tpu.vector_load %arg7[%get3A_210, %get3A_211] {strides = array<i32>} : memref<512x64xf32, #tpu.memory_space<vmem>>, vector<16xf32>,
      %get3A_213 = arith.index_cast %add3A_201 : i32 to index
      %get3A_214 = arith.constant 16 : index
      %get3A_215 = tpu.vector_load %arg8[%get3A_213, %get3A_214] {strides = array<i32>} : memref<512x64xf32, #tpu.memory_space<vmem>>, vector<16xf32>,
      %mul3A_216 = arith.mulf %get3A_212, %get3A_215 : vector<16xf32>
      %add3A_217 = arith.addf %add3A_209, %mul3A_216 : vector<16xf32>
      %get3A_218 = arith.index_cast %add3A_201 : i32 to index
      %get3A_219 = arith.constant 32 : index
      %get3A_220 = tpu.vector_load %arg7[%get3A_218, %get3A_219] {strides = array<i32>} : memref<512x64xf32, #tpu.memory_space<vmem>>, vector<16xf32>,
      %get3A_221 = arith.index_cast %add3A_201 : i32 to index
      %get3A_222 = arith.constant 32 : index
      %get3A_223 = tpu.vector_load %arg8[%get3A_221, %get3A_222] {strides = array<i32>} : memref<512x64xf32, #tpu.memory_space<vmem>>, vector<16xf32>,
      %mul3A_224 = arith.mulf %get3A_220, %get3A_223 : vector<16xf32>
      %add3A_225 = arith.addf %add3A_217, %mul3A_224 : vector<16xf32>
      %get3A_226 = arith.index_cast %add3A_201 : i32 to index
      %get3A_227 = arith.constant 48 : index
      %get3A_228 = tpu.vector_load %arg7[%get3A_226, %get3A_227] {strides = array<i32>} : memref<512x64xf32, #tpu.memory_space<vmem>>, vector<16xf32>,
      %get3A_229 = arith.index_cast %add3A_201 : i32 to index
      %get3A_230 = arith.constant 48 : index
      %get3A_231 = tpu.vector_load %arg8[%get3A_229, %get3A_230] {strides = array<i32>} : memref<512x64xf32, #tpu.memory_space<vmem>>, vector<16xf32>,
      %mul3A_232 = arith.mulf %get3A_228, %get3A_231 : vector<16xf32>
      %add3A_233 = arith.addf %add3A_225, %mul3A_232 : vector<16xf32>
      %mul3A_234 = arith.constant 16 : i32
      %mul3A_235 = vector.broadcast %mul3A_234 : i32 to vector<16xi32>
      %mul3A_236 = arith.muli %iota3A, %mul3A_235 : vector<16xi32>
      %add3A_237 = arith.constant 0 : i32
      %add3A_238 = vector.broadcast %add3A_237 : i32 to vector<16xi32>
      %add3A_239 = arith.addi %mul3A_236, %add3A_238 : vector<16xi32>
      tpu.vector_store_idx %arg9[%add3A_239], %add3A_233 : memref<256xf32, #tpu.memory_space<vmem>>[vector<16xi32>], vector<16xf32>,
      %mul3A_240 = arith.constant 16 : i32
      %mul3A_241 = arith.muli %scan3A_197, %mul3A_240 : i32
      %add3A_242 = arith.constant 1 : i32
      %add3A_243 = arith.addi %mul3A_241, %add3A_242 : i32
      %broadcast_in_dim3A_244 = arith.constant 0.000000e+00 : f32
      %broadcast_in_dim3A_245 = vector.broadcast %broadcast_in_dim3A_244 : f32 to vector<16xf32>
      %get3A_246 = arith.index_cast %add3A_243 : i32 to index
      %get3A_247 = arith.constant 0 : index
      %get3A_248 = tpu.vector_load %arg7[%get3A_246, %get3A_247] {strides = array<i32>} : memref<512x64xf32, #tpu.memory_space<vmem>>, vector<16xf32>,
      %get3A_249 = arith.index_cast %add3A_243 : i32 to index
      %get3A_250 = arith.constant 0 : index
      %get3A_251 = tpu.vector_load %arg8[%get3A_249, %get3A_250] {strides = array<i32>} : memref<512x64xf32, #tpu.memory_space<vmem>>, vector<16xf32>,
      %mul3A_252 = arith.mulf %get3A_248, %get3A_251 : vector<16xf32>
      %add3A_253 = arith.addf %broadcast_in_dim3A_245, %mul3A_252 : vector<16xf32>
      %get3A_254 = arith.index_cast %add3A_243 : i32 to index
      %get3A_255 = arith.constant 16 : index
      %get3A_256 = tpu.vector_load %arg7[%get3A_254, %get3A_255] {strides = array<i32>} : memref<512x64xf32, #tpu.memory_space<vmem>>, vector<16xf32>,
      %get3A_257 = arith.index_cast %add3A_243 : i32 to index
      %get3A_258 = arith.constant 16 : index
      %get3A_259 = tpu.vector_load %arg8[%get3A_257, %get3A_258] {strides = array<i32>} : memref<512x64xf32, #tpu.memory_space<vmem>>, vector<16xf32>,
      %mul3A_260 = arith.mulf %get3A_256, %get3A_259 : vector<16xf32>
      %add3A_261 = arith.addf %add3A_253, %mul3A_260 : vector<16xf32>
      %get3A_262 = arith.index_cast %add3A_243 : i32 to index
      %get3A_263 = arith.constant 32 : index
      %get3A_264 = tpu.vector_load %arg7[%get3A_262, %get3A_263] {strides = array<i32>} : memref<512x64xf32, #tpu.memory_space<vmem>>, vector<16xf32>,
      %get3A_265 = arith.index_cast %add3A_243 : i32 to index
      %get3A_266 = arith.constant 32 : index
      %get3A_267 = tpu.vector_load %arg8[%get3A_265, %get3A_266] {strides = array<i32>} : memref<512x64xf32, #tpu.memory_space<vmem>>, vector<16xf32>,
      %mul3A_268 = arith.mulf %get3A_264, %get3A_267 : vector<16xf32>
      %add3A_269 = arith.addf %add3A_261, %mul3A_268 : vector<16xf32>
      %get3A_270 = arith.index_cast %add3A_243 : i32 to index
      %get3A_271 = arith.constant 48 : index
      %get3A_272 = tpu.vector_load %arg7[%get3A_270, %get3A_271] {strides = array<i32>} : memref<512x64xf32, #tpu.memory_space<vmem>>, vector<16xf32>,
      %get3A_273 = arith.index_cast %add3A_243 : i32 to index
      %get3A_274 = arith.constant 48 : index
      %get3A_275 = tpu.vector_load %arg8[%get3A_273, %get3A_274] {strides = array<i32>} : memref<512x64xf32, #tpu.memory_space<vmem>>, vector<16xf32>,
      %mul3A_276 = arith.mulf %get3A_272, %get3A_275 : vector<16xf32>
      %add3A_277 = arith.addf %add3A_269, %mul3A_276 : vector<16xf32>
      %mul3A_278 = arith.constant 16 : i32
      %mul3A_279 = vector.broadcast %mul3A_278 : i32 to vector<16xi32>
      %mul3A_280 = arith.muli %iota3A, %mul3A_279 : vector<16xi32>
      %add3A_281 = arith.constant 1 : i32
      %add3A_282 = vector.broadcast %add3A_281 : i32 to vector<16xi32>
      %add3A_283 = arith.addi %mul3A_280, %add3A_282 : vector<16xi32>
      tpu.vector_store_idx %arg9[%add3A_283], %add3A_277 : memref<256xf32, #tpu.memory_space<vmem>>[vector<16xi32>], vector<16xf32>,
      %mul3A_284 = arith.constant 16 : i32
      %mul3A_285 = arith.muli %scan3A_197, %mul3A_284 : i32
      %add3A_286 = arith.constant 2 : i32
      %add3A_287 = arith.addi %mul3A_285, %add3A_286 : i32
      %broadcast_in_dim3A_288 = arith.constant 0.000000e+00 : f32
      %broadcast_in_dim3A_289 = vector.broadcast %broadcast_in_dim3A_288 : f32 to vector<16xf32>
      %get3A_290 = arith.index_cast %add3A_287 : i32 to index
      %get3A_291 = arith.constant 0 : index
      %get3A_292 = tpu.vector_load %arg7[%get3A_290, %get3A_291] {strides = array<i32>} : memref<512x64xf32, #tpu.memory_space<vmem>>, vector<16xf32>,
      %get3A_293 = arith.index_cast %add3A_287 : i32 to index
      %get3A_294 = arith.constant 0 : index
      %get3A_295 = tpu.vector_load %arg8[%get3A_293, %get3A_294] {strides = array<i32>} : memref<512x64xf32, #tpu.memory_space<vmem>>, vector<16xf32>,
      %mul3A_296 = arith.mulf %get3A_292, %get3A_295 : vector<16xf32>
      %add3A_297 = arith.addf %broadcast_in_dim3A_289, %mul3A_296 : vector<16xf32>
      %get3A_298 = arith.index_cast %add3A_287 : i32 to index
      %get3A_299 = arith.constant 16 : index
      %get3A_300 = tpu.vector_load %arg7[%get3A_298, %get3A_299] {strides = array<i32>} : memref<512x64xf32, #tpu.memory_space<vmem>>, vector<16xf32>,
      %get3A_301 = arith.index_cast %add3A_287 : i32 to index
      %get3A_302 = arith.constant 16 : index
      %get3A_303 = tpu.vector_load %arg8[%get3A_301, %get3A_302] {strides = array<i32>} : memref<512x64xf32, #tpu.memory_space<vmem>>, vector<16xf32>,
      %mul3A_304 = arith.mulf %get3A_300, %get3A_303 : vector<16xf32>
      %add3A_305 = arith.addf %add3A_297, %mul3A_304 : vector<16xf32>
      %get3A_306 = arith.index_cast %add3A_287 : i32 to index
      %get3A_307 = arith.constant 32 : index
      %get3A_308 = tpu.vector_load %arg7[%get3A_306, %get3A_307] {strides = array<i32>} : memref<512x64xf32, #tpu.memory_space<vmem>>, vector<16xf32>,
      %get3A_309 = arith.index_cast %add3A_287 : i32 to index
      %get3A_310 = arith.constant 32 : index
      %get3A_311 = tpu.vector_load %arg8[%get3A_309, %get3A_310] {strides = array<i32>} : memref<512x64xf32, #tpu.memory_space<vmem>>, vector<16xf32>,
      %mul3A_312 = arith.mulf %get3A_308, %get3A_311 : vector<16xf32>
      %add3A_313 = arith.addf %add3A_305, %mul3A_312 : vector<16xf32>
      %get3A_314 = arith.index_cast %add3A_287 : i32 to index
      %get3A_315 = arith.constant 48 : index
      %get3A_316 = tpu.vector_load %arg7[%get3A_314, %get3A_315] {strides = array<i32>} : memref<512x64xf32, #tpu.memory_space<vmem>>, vector<16xf32>,
      %get3A_317 = arith.index_cast %add3A_287 : i32 to index
      %get3A_318 = arith.constant 48 : index
      %get3A_319 = tpu.vector_load %arg8[%get3A_317, %get3A_318] {strides = array<i32>} : memref<512x64xf32, #tpu.memory_space<vmem>>, vector<16xf32>,
      %mul3A_320 = arith.mulf %get3A_316, %get3A_319 : vector<16xf32>
      %add3A_321 = arith.addf %add3A_313, %mul3A_320 : vector<16xf32>
      %mul3A_322 = arith.constant 16 : i32
      %mul3A_323 = vector.broadcast %mul3A_322 : i32 to vector<16xi32>
      %mul3A_324 = arith.muli %iota3A, %mul3A_323 : vector<16xi32>
      %add3A_325 = arith.constant 2 : i32
      %add3A_326 = vector.broadcast %add3A_325 : i32 to vector<16xi32>
      %add3A_327 = arith.addi %mul3A_324, %add3A_326 : vector<16xi32>
      tpu.vector_store_idx %arg9[%add3A_327], %add3A_321 : memref<256xf32, #tpu.memory_space<vmem>>[vector<16xi32>], vector<16xf32>,
      %mul3A_328 = arith.constant 16 : i32
      %mul3A_329 = arith.muli %scan3A_197, %mul3A_328 : i32
      %add3A_330 = arith.constant 3 : i32
      %add3A_331 = arith.addi %mul3A_329, %add3A_330 : i32
      %broadcast_in_dim3A_332 = arith.constant 0.000000e+00 : f32
      %broadcast_in_dim3A_333 = vector.broadcast %broadcast_in_dim3A_332 : f32 to vector<16xf32>
      %get3A_334 = arith.index_cast %add3A_331 : i32 to index
      %get3A_335 = arith.constant 0 : index
      %get3A_336 = tpu.vector_load %arg7[%get3A_334, %get3A_335] {strides = array<i32>} : memref<512x64xf32, #tpu.memory_space<vmem>>, vector<16xf32>,
      %get3A_337 = arith.index_cast %add3A_331 : i32 to index
      %get3A_338 = arith.constant 0 : index
      %get3A_339 = tpu.vector_load %arg8[%get3A_337, %get3A_338] {strides = array<i32>} : memref<512x64xf32, #tpu.memory_space<vmem>>, vector<16xf32>,
      %mul3A_340 = arith.mulf %get3A_336, %get3A_339 : vector<16xf32>
      %add3A_341 = arith.addf %broadcast_in_dim3A_333, %mul3A_340 : vector<16xf32>
      %get3A_342 = arith.index_cast %add3A_331 : i32 to index
      %get3A_343 = arith.constant 16 : index
      %get3A_344 = tpu.vector_load %arg7[%get3A_342, %get3A_343] {strides = array<i32>} : memref<512x64xf32, #tpu.memory_space<vmem>>, vector<16xf32>,
      %get3A_345 = arith.index_cast %add3A_331 : i32 to index
      %get3A_346 = arith.constant 16 : index
      %get3A_347 = tpu.vector_load %arg8[%get3A_345, %get3A_346] {strides = array<i32>} : memref<512x64xf32, #tpu.memory_space<vmem>>, vector<16xf32>,
      %mul3A_348 = arith.mulf %get3A_344, %get3A_347 : vector<16xf32>
      %add3A_349 = arith.addf %add3A_341, %mul3A_348 : vector<16xf32>
      %get3A_350 = arith.index_cast %add3A_331 : i32 to index
      %get3A_351 = arith.constant 32 : index
      %get3A_352 = tpu.vector_load %arg7[%get3A_350, %get3A_351] {strides = array<i32>} : memref<512x64xf32, #tpu.memory_space<vmem>>, vector<16xf32>,
      %get3A_353 = arith.index_cast %add3A_331 : i32 to index
      %get3A_354 = arith.constant 32 : index
      %get3A_355 = tpu.vector_load %arg8[%get3A_353, %get3A_354] {strides = array<i32>} : memref<512x64xf32, #tpu.memory_space<vmem>>, vector<16xf32>,
      %mul3A_356 = arith.mulf %get3A_352, %get3A_355 : vector<16xf32>
      %add3A_357 = arith.addf %add3A_349, %mul3A_356 : vector<16xf32>
      %get3A_358 = arith.index_cast %add3A_331 : i32 to index
      %get3A_359 = arith.constant 48 : index
      %get3A_360 = tpu.vector_load %arg7[%get3A_358, %get3A_359] {strides = array<i32>} : memref<512x64xf32, #tpu.memory_space<vmem>>, vector<16xf32>,
      %get3A_361 = arith.index_cast %add3A_331 : i32 to index
      %get3A_362 = arith.constant 48 : index
      %get3A_363 = tpu.vector_load %arg8[%get3A_361, %get3A_362] {strides = array<i32>} : memref<512x64xf32, #tpu.memory_space<vmem>>, vector<16xf32>,
      %mul3A_364 = arith.mulf %get3A_360, %get3A_363 : vector<16xf32>
      %add3A_365 = arith.addf %add3A_357, %mul3A_364 : vector<16xf32>
      %mul3A_366 = arith.constant 16 : i32
      %mul3A_367 = vector.broadcast %mul3A_366 : i32 to vector<16xi32>
      %mul3A_368 = arith.muli %iota3A, %mul3A_367 : vector<16xi32>
      %add3A_369 = arith.constant 3 : i32
      %add3A_370 = vector.broadcast %add3A_369 : i32 to vector<16xi32>
      %add3A_371 = arith.addi %mul3A_368, %add3A_370 : vector<16xi32>
      tpu.vector_store_idx %arg9[%add3A_371], %add3A_365 : memref<256xf32, #tpu.memory_space<vmem>>[vector<16xi32>], vector<16xf32>,
      %mul3A_372 = arith.constant 16 : i32
      %mul3A_373 = arith.muli %scan3A_197, %mul3A_372 : i32
      %add3A_374 = arith.constant 4 : i32
      %add3A_375 = arith.addi %mul3A_373, %add3A_374 : i32
      %broadcast_in_dim3A_376 = arith.constant 0.000000e+00 : f32
      %broadcast_in_dim3A_377 = vector.broadcast %broadcast_in_dim3A_376 : f32 to vector<16xf32>
      %get3A_378 = arith.index_cast %add3A_375 : i32 to index
      %get3A_379 = arith.constant 0 : index
      %get3A_380 = tpu.vector_load %arg7[%get3A_378, %get3A_379] {strides = array<i32>} : memref<512x64xf32, #tpu.memory_space<vmem>>, vector<16xf32>,
      %get3A_381 = arith.index_cast %add3A_375 : i32 to index
      %get3A_382 = arith.constant 0 : index
      %get3A_383 = tpu.vector_load %arg8[%get3A_381, %get3A_382] {strides = array<i32>} : memref<512x64xf32, #tpu.memory_space<vmem>>, vector<16xf32>,
      %mul3A_384 = arith.mulf %get3A_380, %get3A_383 : vector<16xf32>
      %add3A_385 = arith.addf %broadcast_in_dim3A_377, %mul3A_384 : vector<16xf32>
      %get3A_386 = arith.index_cast %add3A_375 : i32 to index
      %get3A_387 = arith.constant 16 : index
      %get3A_388 = tpu.vector_load %arg7[%get3A_386, %get3A_387] {strides = array<i32>} : memref<512x64xf32, #tpu.memory_space<vmem>>, vector<16xf32>,
      %get3A_389 = arith.index_cast %add3A_375 : i32 to index
      %get3A_390 = arith.constant 16 : index
      %get3A_391 = tpu.vector_load %arg8[%get3A_389, %get3A_390] {strides = array<i32>} : memref<512x64xf32, #tpu.memory_space<vmem>>, vector<16xf32>,
      %mul3A_392 = arith.mulf %get3A_388, %get3A_391 : vector<16xf32>
      %add3A_393 = arith.addf %add3A_385, %mul3A_392 : vector<16xf32>
      %get3A_394 = arith.index_cast %add3A_375 : i32 to index
      %get3A_395 = arith.constant 32 : index
      %get3A_396 = tpu.vector_load %arg7[%get3A_394, %get3A_395] {strides = array<i32>} : memref<512x64xf32, #tpu.memory_space<vmem>>, vector<16xf32>,
      %get3A_397 = arith.index_cast %add3A_375 : i32 to index
      %get3A_398 = arith.constant 32 : index
      %get3A_399 = tpu.vector_load %arg8[%get3A_397, %get3A_398] {strides = array<i32>} : memref<512x64xf32, #tpu.memory_space<vmem>>, vector<16xf32>,
      %mul3A_400 = arith.mulf %get3A_396, %get3A_399 : vector<16xf32>
      %add3A_401 = arith.addf %add3A_393, %mul3A_400 : vector<16xf32>
      %get3A_402 = arith.index_cast %add3A_375 : i32 to index
      %get3A_403 = arith.constant 48 : index
      %get3A_404 = tpu.vector_load %arg7[%get3A_402, %get3A_403] {strides = array<i32>} : memref<512x64xf32, #tpu.memory_space<vmem>>, vector<16xf32>,
      %get3A_405 = arith.index_cast %add3A_375 : i32 to index
      %get3A_406 = arith.constant 48 : index
      %get3A_407 = tpu.vector_load %arg8[%get3A_405, %get3A_406] {strides = array<i32>} : memref<512x64xf32, #tpu.memory_space<vmem>>, vector<16xf32>,
      %mul3A_408 = arith.mulf %get3A_404, %get3A_407 : vector<16xf32>
      %add3A_409 = arith.addf %add3A_401, %mul3A_408 : vector<16xf32>
      %mul3A_410 = arith.constant 16 : i32
      %mul3A_411 = vector.broadcast %mul3A_410 : i32 to vector<16xi32>
      %mul3A_412 = arith.muli %iota3A, %mul3A_411 : vector<16xi32>
      %add3A_413 = arith.constant 4 : i32
      %add3A_414 = vector.broadcast %add3A_413 : i32 to vector<16xi32>
      %add3A_415 = arith.addi %mul3A_412, %add3A_414 : vector<16xi32>
      tpu.vector_store_idx %arg9[%add3A_415], %add3A_409 : memref<256xf32, #tpu.memory_space<vmem>>[vector<16xi32>], vector<16xf32>,
      %mul3A_416 = arith.constant 16 : i32
      %mul3A_417 = arith.muli %scan3A_197, %mul3A_416 : i32
      %add3A_418 = arith.constant 5 : i32
      %add3A_419 = arith.addi %mul3A_417, %add3A_418 : i32
      %broadcast_in_dim3A_420 = arith.constant 0.000000e+00 : f32
      %broadcast_in_dim3A_421 = vector.broadcast %broadcast_in_dim3A_420 : f32 to vector<16xf32>
      %get3A_422 = arith.index_cast %add3A_419 : i32 to index
      %get3A_423 = arith.constant 0 : index
      %get3A_424 = tpu.vector_load %arg7[%get3A_422, %get3A_423] {strides = array<i32>} : memref<512x64xf32, #tpu.memory_space<vmem>>, vector<16xf32>,
      %get3A_425 = arith.index_cast %add3A_419 : i32 to index
      %get3A_426 = arith.constant 0 : index
      %get3A_427 = tpu.vector_load %arg8[%get3A_425, %get3A_426] {strides = array<i32>} : memref<512x64xf32, #tpu.memory_space<vmem>>, vector<16xf32>,
      %mul3A_428 = arith.mulf %get3A_424, %get3A_427 : vector<16xf32>
      %add3A_429 = arith.addf %broadcast_in_dim3A_421, %mul3A_428 : vector<16xf32>
      %get3A_430 = arith.index_cast %add3A_419 : i32 to index
      %get3A_431 = arith.constant 16 : index
      %get3A_432 = tpu.vector_load %arg7[%get3A_430, %get3A_431] {strides = array<i32>} : memref<512x64xf32, #tpu.memory_space<vmem>>, vector<16xf32>,
      %get3A_433 = arith.index_cast %add3A_419 : i32 to index
      %get3A_434 = arith.constant 16 : index
      %get3A_435 = tpu.vector_load %arg8[%get3A_433, %get3A_434] {strides = array<i32>} : memref<512x64xf32, #tpu.memory_space<vmem>>, vector<16xf32>,
      %mul3A_436 = arith.mulf %get3A_432, %get3A_435 : vector<16xf32>
      %add3A_437 = arith.addf %add3A_429, %mul3A_436 : vector<16xf32>
      %get3A_438 = arith.index_cast %add3A_419 : i32 to index
      %get3A_439 = arith.constant 32 : index
      %get3A_440 = tpu.vector_load %arg7[%get3A_438, %get3A_439] {strides = array<i32>} : memref<512x64xf32, #tpu.memory_space<vmem>>, vector<16xf32>,
      %get3A_441 = arith.index_cast %add3A_419 : i32 to index
      %get3A_442 = arith.constant 32 : index
      %get3A_443 = tpu.vector_load %arg8[%get3A_441, %get3A_442] {strides = array<i32>} : memref<512x64xf32, #tpu.memory_space<vmem>>, vector<16xf32>,
      %mul3A_444 = arith.mulf %get3A_440, %get3A_443 : vector<16xf32>
      %add3A_445 = arith.addf %add3A_437, %mul3A_444 : vector<16xf32>
      %get3A_446 = arith.index_cast %add3A_419 : i32 to index
      %get3A_447 = arith.constant 48 : index
      %get3A_448 = tpu.vector_load %arg7[%get3A_446, %get3A_447] {strides = array<i32>} : memref<512x64xf32, #tpu.memory_space<vmem>>, vector<16xf32>,
      %get3A_449 = arith.index_cast %add3A_419 : i32 to index
      %get3A_450 = arith.constant 48 : index
      %get3A_451 = tpu.vector_load %arg8[%get3A_449, %get3A_450] {strides = array<i32>} : memref<512x64xf32, #tpu.memory_space<vmem>>, vector<16xf32>,
      %mul3A_452 = arith.mulf %get3A_448, %get3A_451 : vector<16xf32>
      %add3A_453 = arith.addf %add3A_445, %mul3A_452 : vector<16xf32>
      %mul3A_454 = arith.constant 16 : i32
      %mul3A_455 = vector.broadcast %mul3A_454 : i32 to vector<16xi32>
      %mul3A_456 = arith.muli %iota3A, %mul3A_455 : vector<16xi32>
      %add3A_457 = arith.constant 5 : i32
      %add3A_458 = vector.broadcast %add3A_457 : i32 to vector<16xi32>
      %add3A_459 = arith.addi %mul3A_456, %add3A_458 : vector<16xi32>
      tpu.vector_store_idx %arg9[%add3A_459], %add3A_453 : memref<256xf32, #tpu.memory_space<vmem>>[vector<16xi32>], vector<16xf32>,
      %mul3A_460 = arith.constant 16 : i32
      %mul3A_461 = arith.muli %scan3A_197, %mul3A_460 : i32
      %add3A_462 = arith.constant 6 : i32
      %add3A_463 = arith.addi %mul3A_461, %add3A_462 : i32
      %broadcast_in_dim3A_464 = arith.constant 0.000000e+00 : f32
      %broadcast_in_dim3A_465 = vector.broadcast %broadcast_in_dim3A_464 : f32 to vector<16xf32>
      %get3A_466 = arith.index_cast %add3A_463 : i32 to index
      %get3A_467 = arith.constant 0 : index
      %get3A_468 = tpu.vector_load %arg7[%get3A_466, %get3A_467] {strides = array<i32>} : memref<512x64xf32, #tpu.memory_space<vmem>>, vector<16xf32>,
      %get3A_469 = arith.index_cast %add3A_463 : i32 to index
      %get3A_470 = arith.constant 0 : index
      %get3A_471 = tpu.vector_load %arg8[%get3A_469, %get3A_470] {strides = array<i32>} : memref<512x64xf32, #tpu.memory_space<vmem>>, vector<16xf32>,
      %mul3A_472 = arith.mulf %get3A_468, %get3A_471 : vector<16xf32>
      %add3A_473 = arith.addf %broadcast_in_dim3A_465, %mul3A_472 : vector<16xf32>
      %get3A_474 = arith.index_cast %add3A_463 : i32 to index
      %get3A_475 = arith.constant 16 : index
      %get3A_476 = tpu.vector_load %arg7[%get3A_474, %get3A_475] {strides = array<i32>} : memref<512x64xf32, #tpu.memory_space<vmem>>, vector<16xf32>,
      %get3A_477 = arith.index_cast %add3A_463 : i32 to index
      %get3A_478 = arith.constant 16 : index
      %get3A_479 = tpu.vector_load %arg8[%get3A_477, %get3A_478] {strides = array<i32>} : memref<512x64xf32, #tpu.memory_space<vmem>>, vector<16xf32>,
      %mul3A_480 = arith.mulf %get3A_476, %get3A_479 : vector<16xf32>
      %add3A_481 = arith.addf %add3A_473, %mul3A_480 : vector<16xf32>
      %get3A_482 = arith.index_cast %add3A_463 : i32 to index
      %get3A_483 = arith.constant 32 : index
      %get3A_484 = tpu.vector_load %arg7[%get3A_482, %get3A_483] {strides = array<i32>} : memref<512x64xf32, #tpu.memory_space<vmem>>, vector<16xf32>,
      %get3A_485 = arith.index_cast %add3A_463 : i32 to index
      %get3A_486 = arith.constant 32 : index
      %get3A_487 = tpu.vector_load %arg8[%get3A_485, %get3A_486] {strides = array<i32>} : memref<512x64xf32, #tpu.memory_space<vmem>>, vector<16xf32>,
      %mul3A_488 = arith.mulf %get3A_484, %get3A_487 : vector<16xf32>
      %add3A_489 = arith.addf %add3A_481, %mul3A_488 : vector<16xf32>
      %get3A_490 = arith.index_cast %add3A_463 : i32 to index
      %get3A_491 = arith.constant 48 : index
      %get3A_492 = tpu.vector_load %arg7[%get3A_490, %get3A_491] {strides = array<i32>} : memref<512x64xf32, #tpu.memory_space<vmem>>, vector<16xf32>,
      %get3A_493 = arith.index_cast %add3A_463 : i32 to index
      %get3A_494 = arith.constant 48 : index
      %get3A_495 = tpu.vector_load %arg8[%get3A_493, %get3A_494] {strides = array<i32>} : memref<512x64xf32, #tpu.memory_space<vmem>>, vector<16xf32>,
      %mul3A_496 = arith.mulf %get3A_492, %get3A_495 : vector<16xf32>
      %add3A_497 = arith.addf %add3A_489, %mul3A_496 : vector<16xf32>
      %mul3A_498 = arith.constant 16 : i32
      %mul3A_499 = vector.broadcast %mul3A_498 : i32 to vector<16xi32>
      %mul3A_500 = arith.muli %iota3A, %mul3A_499 : vector<16xi32>
      %add3A_501 = arith.constant 6 : i32
      %add3A_502 = vector.broadcast %add3A_501 : i32 to vector<16xi32>
      %add3A_503 = arith.addi %mul3A_500, %add3A_502 : vector<16xi32>
      tpu.vector_store_idx %arg9[%add3A_503], %add3A_497 : memref<256xf32, #tpu.memory_space<vmem>>[vector<16xi32>], vector<16xf32>,
      %mul3A_504 = arith.constant 16 : i32
      %mul3A_505 = arith.muli %scan3A_197, %mul3A_504 : i32
      %add3A_506 = arith.constant 7 : i32
      %add3A_507 = arith.addi %mul3A_505, %add3A_506 : i32
      %broadcast_in_dim3A_508 = arith.constant 0.000000e+00 : f32
      %broadcast_in_dim3A_509 = vector.broadcast %broadcast_in_dim3A_508 : f32 to vector<16xf32>
      %get3A_510 = arith.index_cast %add3A_507 : i32 to index
      %get3A_511 = arith.constant 0 : index
      %get3A_512 = tpu.vector_load %arg7[%get3A_510, %get3A_511] {strides = array<i32>} : memref<512x64xf32, #tpu.memory_space<vmem>>, vector<16xf32>,
      %get3A_513 = arith.index_cast %add3A_507 : i32 to index
      %get3A_514 = arith.constant 0 : index
      %get3A_515 = tpu.vector_load %arg8[%get3A_513, %get3A_514] {strides = array<i32>} : memref<512x64xf32, #tpu.memory_space<vmem>>, vector<16xf32>,
      %mul3A_516 = arith.mulf %get3A_512, %get3A_515 : vector<16xf32>
      %add3A_517 = arith.addf %broadcast_in_dim3A_509, %mul3A_516 : vector<16xf32>
      %get3A_518 = arith.index_cast %add3A_507 : i32 to index
      %get3A_519 = arith.constant 16 : index
      %get3A_520 = tpu.vector_load %arg7[%get3A_518, %get3A_519] {strides = array<i32>} : memref<512x64xf32, #tpu.memory_space<vmem>>, vector<16xf32>,
      %get3A_521 = arith.index_cast %add3A_507 : i32 to index
      %get3A_522 = arith.constant 16 : index
      %get3A_523 = tpu.vector_load %arg8[%get3A_521, %get3A_522] {strides = array<i32>} : memref<512x64xf32, #tpu.memory_space<vmem>>, vector<16xf32>,
      %mul3A_524 = arith.mulf %get3A_520, %get3A_523 : vector<16xf32>
      %add3A_525 = arith.addf %add3A_517, %mul3A_524 : vector<16xf32>
      %get3A_526 = arith.index_cast %add3A_507 : i32 to index
      %get3A_527 = arith.constant 32 : index
      %get3A_528 = tpu.vector_load %arg7[%get3A_526, %get3A_527] {strides = array<i32>} : memref<512x64xf32, #tpu.memory_space<vmem>>, vector<16xf32>,
      %get3A_529 = arith.index_cast %add3A_507 : i32 to index
      %get3A_530 = arith.constant 32 : index
      %get3A_531 = tpu.vector_load %arg8[%get3A_529, %get3A_530] {strides = array<i32>} : memref<512x64xf32, #tpu.memory_space<vmem>>, vector<16xf32>,
      %mul3A_532 = arith.mulf %get3A_528, %get3A_531 : vector<16xf32>
      %add3A_533 = arith.addf %add3A_525, %mul3A_532 : vector<16xf32>
      %get3A_534 = arith.index_cast %add3A_507 : i32 to index
      %get3A_535 = arith.constant 48 : index
      %get3A_536 = tpu.vector_load %arg7[%get3A_534, %get3A_535] {strides = array<i32>} : memref<512x64xf32, #tpu.memory_space<vmem>>, vector<16xf32>,
      %get3A_537 = arith.index_cast %add3A_507 : i32 to index
      %get3A_538 = arith.constant 48 : index
      %get3A_539 = tpu.vector_load %arg8[%get3A_537, %get3A_538] {strides = array<i32>} : memref<512x64xf32, #tpu.memory_space<vmem>>, vector<16xf32>,
      %mul3A_540 = arith.mulf %get3A_536, %get3A_539 : vector<16xf32>
      %add3A_541 = arith.addf %add3A_533, %mul3A_540 : vector<16xf32>
      %mul3A_542 = arith.constant 16 : i32
      %mul3A_543 = vector.broadcast %mul3A_542 : i32 to vector<16xi32>
      %mul3A_544 = arith.muli %iota3A, %mul3A_543 : vector<16xi32>
      %add3A_545 = arith.constant 7 : i32
      %add3A_546 = vector.broadcast %add3A_545 : i32 to vector<16xi32>
      %add3A_547 = arith.addi %mul3A_544, %add3A_546 : vector<16xi32>
      tpu.vector_store_idx %arg9[%add3A_547], %add3A_541 : memref<256xf32, #tpu.memory_space<vmem>>[vector<16xi32>], vector<16xf32>,
      %mul3A_548 = arith.constant 16 : i32
      %mul3A_549 = arith.muli %scan3A_197, %mul3A_548 : i32
      %add3A_550 = arith.constant 8 : i32
      %add3A_551 = arith.addi %mul3A_549, %add3A_550 : i32
      %broadcast_in_dim3A_552 = arith.constant 0.000000e+00 : f32
      %broadcast_in_dim3A_553 = vector.broadcast %broadcast_in_dim3A_552 : f32 to vector<16xf32>
      %get3A_554 = arith.index_cast %add3A_551 : i32 to index
      %get3A_555 = arith.constant 0 : index
      %get3A_556 = tpu.vector_load %arg7[%get3A_554, %get3A_555] {strides = array<i32>} : memref<512x64xf32, #tpu.memory_space<vmem>>, vector<16xf32>,
      %get3A_557 = arith.index_cast %add3A_551 : i32 to index
      %get3A_558 = arith.constant 0 : index
      %get3A_559 = tpu.vector_load %arg8[%get3A_557, %get3A_558] {strides = array<i32>} : memref<512x64xf32, #tpu.memory_space<vmem>>, vector<16xf32>,
      %mul3A_560 = arith.mulf %get3A_556, %get3A_559 : vector<16xf32>
      %add3A_561 = arith.addf %broadcast_in_dim3A_553, %mul3A_560 : vector<16xf32>
      %get3A_562 = arith.index_cast %add3A_551 : i32 to index
      %get3A_563 = arith.constant 16 : index
      %get3A_564 = tpu.vector_load %arg7[%get3A_562, %get3A_563] {strides = array<i32>} : memref<512x64xf32, #tpu.memory_space<vmem>>, vector<16xf32>,
      %get3A_565 = arith.index_cast %add3A_551 : i32 to index
      %get3A_566 = arith.constant 16 : index
      %get3A_567 = tpu.vector_load %arg8[%get3A_565, %get3A_566] {strides = array<i32>} : memref<512x64xf32, #tpu.memory_space<vmem>>, vector<16xf32>,
      %mul3A_568 = arith.mulf %get3A_564, %get3A_567 : vector<16xf32>
      %add3A_569 = arith.addf %add3A_561, %mul3A_568 : vector<16xf32>
      %get3A_570 = arith.index_cast %add3A_551 : i32 to index
      %get3A_571 = arith.constant 32 : index
      %get3A_572 = tpu.vector_load %arg7[%get3A_570, %get3A_571] {strides = array<i32>} : memref<512x64xf32, #tpu.memory_space<vmem>>, vector<16xf32>,
      %get3A_573 = arith.index_cast %add3A_551 : i32 to index
      %get3A_574 = arith.constant 32 : index
      %get3A_575 = tpu.vector_load %arg8[%get3A_573, %get3A_574] {strides = array<i32>} : memref<512x64xf32, #tpu.memory_space<vmem>>, vector<16xf32>,
      %mul3A_576 = arith.mulf %get3A_572, %get3A_575 : vector<16xf32>
      %add3A_577 = arith.addf %add3A_569, %mul3A_576 : vector<16xf32>
      %get3A_578 = arith.index_cast %add3A_551 : i32 to index
      %get3A_579 = arith.constant 48 : index
      %get3A_580 = tpu.vector_load %arg7[%get3A_578, %get3A_579] {strides = array<i32>} : memref<512x64xf32, #tpu.memory_space<vmem>>, vector<16xf32>,
      %get3A_581 = arith.index_cast %add3A_551 : i32 to index
      %get3A_582 = arith.constant 48 : index
      %get3A_583 = tpu.vector_load %arg8[%get3A_581, %get3A_582] {strides = array<i32>} : memref<512x64xf32, #tpu.memory_space<vmem>>, vector<16xf32>,
      %mul3A_584 = arith.mulf %get3A_580, %get3A_583 : vector<16xf32>
      %add3A_585 = arith.addf %add3A_577, %mul3A_584 : vector<16xf32>
      %mul3A_586 = arith.constant 16 : i32
      %mul3A_587 = vector.broadcast %mul3A_586 : i32 to vector<16xi32>
      %mul3A_588 = arith.muli %iota3A, %mul3A_587 : vector<16xi32>
      %add3A_589 = arith.constant 8 : i32
      %add3A_590 = vector.broadcast %add3A_589 : i32 to vector<16xi32>
      %add3A_591 = arith.addi %mul3A_588, %add3A_590 : vector<16xi32>
      tpu.vector_store_idx %arg9[%add3A_591], %add3A_585 : memref<256xf32, #tpu.memory_space<vmem>>[vector<16xi32>], vector<16xf32>,
      %mul3A_592 = arith.constant 16 : i32
      %mul3A_593 = arith.muli %scan3A_197, %mul3A_592 : i32
      %add3A_594 = arith.constant 9 : i32
      %add3A_595 = arith.addi %mul3A_593, %add3A_594 : i32
      %broadcast_in_dim3A_596 = arith.constant 0.000000e+00 : f32
      %broadcast_in_dim3A_597 = vector.broadcast %broadcast_in_dim3A_596 : f32 to vector<16xf32>
      %get3A_598 = arith.index_cast %add3A_595 : i32 to index
      %get3A_599 = arith.constant 0 : index
      %get3A_600 = tpu.vector_load %arg7[%get3A_598, %get3A_599] {strides = array<i32>} : memref<512x64xf32, #tpu.memory_space<vmem>>, vector<16xf32>,
      %get3A_601 = arith.index_cast %add3A_595 : i32 to index
      %get3A_602 = arith.constant 0 : index
      %get3A_603 = tpu.vector_load %arg8[%get3A_601, %get3A_602] {strides = array<i32>} : memref<512x64xf32, #tpu.memory_space<vmem>>, vector<16xf32>,
      %mul3A_604 = arith.mulf %get3A_600, %get3A_603 : vector<16xf32>
      %add3A_605 = arith.addf %broadcast_in_dim3A_597, %mul3A_604 : vector<16xf32>
      %get3A_606 = arith.index_cast %add3A_595 : i32 to index
      %get3A_607 = arith.constant 16 : index
      %get3A_608 = tpu.vector_load %arg7[%get3A_606, %get3A_607] {strides = array<i32>} : memref<512x64xf32, #tpu.memory_space<vmem>>, vector<16xf32>,
      %get3A_609 = arith.index_cast %add3A_595 : i32 to index
      %get3A_610 = arith.constant 16 : index
      %get3A_611 = tpu.vector_load %arg8[%get3A_609, %get3A_610] {strides = array<i32>} : memref<512x64xf32, #tpu.memory_space<vmem>>, vector<16xf32>,
      %mul3A_612 = arith.mulf %get3A_608, %get3A_611 : vector<16xf32>
      %add3A_613 = arith.addf %add3A_605, %mul3A_612 : vector<16xf32>
      %get3A_614 = arith.index_cast %add3A_595 : i32 to index
      %get3A_615 = arith.constant 32 : index
      %get3A_616 = tpu.vector_load %arg7[%get3A_614, %get3A_615] {strides = array<i32>} : memref<512x64xf32, #tpu.memory_space<vmem>>, vector<16xf32>,
      %get3A_617 = arith.index_cast %add3A_595 : i32 to index
      %get3A_618 = arith.constant 32 : index
      %get3A_619 = tpu.vector_load %arg8[%get3A_617, %get3A_618] {strides = array<i32>} : memref<512x64xf32, #tpu.memory_space<vmem>>, vector<16xf32>,
      %mul3A_620 = arith.mulf %get3A_616, %get3A_619 : vector<16xf32>
      %add3A_621 = arith.addf %add3A_613, %mul3A_620 : vector<16xf32>
      %get3A_622 = arith.index_cast %add3A_595 : i32 to index
      %get3A_623 = arith.constant 48 : index
      %get3A_624 = tpu.vector_load %arg7[%get3A_622, %get3A_623] {strides = array<i32>} : memref<512x64xf32, #tpu.memory_space<vmem>>, vector<16xf32>,
      %get3A_625 = arith.index_cast %add3A_595 : i32 to index
      %get3A_626 = arith.constant 48 : index
      %get3A_627 = tpu.vector_load %arg8[%get3A_625, %get3A_626] {strides = array<i32>} : memref<512x64xf32, #tpu.memory_space<vmem>>, vector<16xf32>,
      %mul3A_628 = arith.mulf %get3A_624, %get3A_627 : vector<16xf32>
      %add3A_629 = arith.addf %add3A_621, %mul3A_628 : vector<16xf32>
      %mul3A_630 = arith.constant 16 : i32
      %mul3A_631 = vector.broadcast %mul3A_630 : i32 to vector<16xi32>
      %mul3A_632 = arith.muli %iota3A, %mul3A_631 : vector<16xi32>
      %add3A_633 = arith.constant 9 : i32
      %add3A_634 = vector.broadcast %add3A_633 : i32 to vector<16xi32>
      %add3A_635 = arith.addi %mul3A_632, %add3A_634 : vector<16xi32>
      tpu.vector_store_idx %arg9[%add3A_635], %add3A_629 : memref<256xf32, #tpu.memory_space<vmem>>[vector<16xi32>], vector<16xf32>,
      %mul3A_636 = arith.constant 16 : i32
      %mul3A_637 = arith.muli %scan3A_197, %mul3A_636 : i32
      %add3A_638 = arith.constant 10 : i32
      %add3A_639 = arith.addi %mul3A_637, %add3A_638 : i32
      %broadcast_in_dim3A_640 = arith.constant 0.000000e+00 : f32
      %broadcast_in_dim3A_641 = vector.broadcast %broadcast_in_dim3A_640 : f32 to vector<16xf32>
      %get3A_642 = arith.index_cast %add3A_639 : i32 to index
      %get3A_643 = arith.constant 0 : index
      %get3A_644 = tpu.vector_load %arg7[%get3A_642, %get3A_643] {strides = array<i32>} : memref<512x64xf32, #tpu.memory_space<vmem>>, vector<16xf32>,
      %get3A_645 = arith.index_cast %add3A_639 : i32 to index
      %get3A_646 = arith.constant 0 : index
      %get3A_647 = tpu.vector_load %arg8[%get3A_645, %get3A_646] {strides = array<i32>} : memref<512x64xf32, #tpu.memory_space<vmem>>, vector<16xf32>,
      %mul3A_648 = arith.mulf %get3A_644, %get3A_647 : vector<16xf32>
      %add3A_649 = arith.addf %broadcast_in_dim3A_641, %mul3A_648 : vector<16xf32>
      %get3A_650 = arith.index_cast %add3A_639 : i32 to index
      %get3A_651 = arith.constant 16 : index
      %get3A_652 = tpu.vector_load %arg7[%get3A_650, %get3A_651] {strides = array<i32>} : memref<512x64xf32, #tpu.memory_space<vmem>>, vector<16xf32>,
      %get3A_653 = arith.index_cast %add3A_639 : i32 to index
      %get3A_654 = arith.constant 16 : index
      %get3A_655 = tpu.vector_load %arg8[%get3A_653, %get3A_654] {strides = array<i32>} : memref<512x64xf32, #tpu.memory_space<vmem>>, vector<16xf32>,
      %mul3A_656 = arith.mulf %get3A_652, %get3A_655 : vector<16xf32>
      %add3A_657 = arith.addf %add3A_649, %mul3A_656 : vector<16xf32>
      %get3A_658 = arith.index_cast %add3A_639 : i32 to index
      %get3A_659 = arith.constant 32 : index
      %get3A_660 = tpu.vector_load %arg7[%get3A_658, %get3A_659] {strides = array<i32>} : memref<512x64xf32, #tpu.memory_space<vmem>>, vector<16xf32>,
      %get3A_661 = arith.index_cast %add3A_639 : i32 to index
      %get3A_662 = arith.constant 32 : index
      %get3A_663 = tpu.vector_load %arg8[%get3A_661, %get3A_662] {strides = array<i32>} : memref<512x64xf32, #tpu.memory_space<vmem>>, vector<16xf32>,
      %mul3A_664 = arith.mulf %get3A_660, %get3A_663 : vector<16xf32>
      %add3A_665 = arith.addf %add3A_657, %mul3A_664 : vector<16xf32>
      %get3A_666 = arith.index_cast %add3A_639 : i32 to index
      %get3A_667 = arith.constant 48 : index
      %get3A_668 = tpu.vector_load %arg7[%get3A_666, %get3A_667] {strides = array<i32>} : memref<512x64xf32, #tpu.memory_space<vmem>>, vector<16xf32>,
      %get3A_669 = arith.index_cast %add3A_639 : i32 to index
      %get3A_670 = arith.constant 48 : index
      %get3A_671 = tpu.vector_load %arg8[%get3A_669, %get3A_670] {strides = array<i32>} : memref<512x64xf32, #tpu.memory_space<vmem>>, vector<16xf32>,
      %mul3A_672 = arith.mulf %get3A_668, %get3A_671 : vector<16xf32>
      %add3A_673 = arith.addf %add3A_665, %mul3A_672 : vector<16xf32>
      %mul3A_674 = arith.constant 16 : i32
      %mul3A_675 = vector.broadcast %mul3A_674 : i32 to vector<16xi32>
      %mul3A_676 = arith.muli %iota3A, %mul3A_675 : vector<16xi32>
      %add3A_677 = arith.constant 10 : i32
      %add3A_678 = vector.broadcast %add3A_677 : i32 to vector<16xi32>
      %add3A_679 = arith.addi %mul3A_676, %add3A_678 : vector<16xi32>
      tpu.vector_store_idx %arg9[%add3A_679], %add3A_673 : memref<256xf32, #tpu.memory_space<vmem>>[vector<16xi32>], vector<16xf32>,
      %mul3A_680 = arith.constant 16 : i32
      %mul3A_681 = arith.muli %scan3A_197, %mul3A_680 : i32
      %add3A_682 = arith.constant 11 : i32
      %add3A_683 = arith.addi %mul3A_681, %add3A_682 : i32
      %broadcast_in_dim3A_684 = arith.constant 0.000000e+00 : f32
      %broadcast_in_dim3A_685 = vector.broadcast %broadcast_in_dim3A_684 : f32 to vector<16xf32>
      %get3A_686 = arith.index_cast %add3A_683 : i32 to index
      %get3A_687 = arith.constant 0 : index
      %get3A_688 = tpu.vector_load %arg7[%get3A_686, %get3A_687] {strides = array<i32>} : memref<512x64xf32, #tpu.memory_space<vmem>>, vector<16xf32>,
      %get3A_689 = arith.index_cast %add3A_683 : i32 to index
      %get3A_690 = arith.constant 0 : index
      %get3A_691 = tpu.vector_load %arg8[%get3A_689, %get3A_690] {strides = array<i32>} : memref<512x64xf32, #tpu.memory_space<vmem>>, vector<16xf32>,
      %mul3A_692 = arith.mulf %get3A_688, %get3A_691 : vector<16xf32>
      %add3A_693 = arith.addf %broadcast_in_dim3A_685, %mul3A_692 : vector<16xf32>
      %get3A_694 = arith.index_cast %add3A_683 : i32 to index
      %get3A_695 = arith.constant 16 : index
      %get3A_696 = tpu.vector_load %arg7[%get3A_694, %get3A_695] {strides = array<i32>} : memref<512x64xf32, #tpu.memory_space<vmem>>, vector<16xf32>,
      %get3A_697 = arith.index_cast %add3A_683 : i32 to index
      %get3A_698 = arith.constant 16 : index
      %get3A_699 = tpu.vector_load %arg8[%get3A_697, %get3A_698] {strides = array<i32>} : memref<512x64xf32, #tpu.memory_space<vmem>>, vector<16xf32>,
      %mul3A_700 = arith.mulf %get3A_696, %get3A_699 : vector<16xf32>
      %add3A_701 = arith.addf %add3A_693, %mul3A_700 : vector<16xf32>
      %get3A_702 = arith.index_cast %add3A_683 : i32 to index
      %get3A_703 = arith.constant 32 : index
      %get3A_704 = tpu.vector_load %arg7[%get3A_702, %get3A_703] {strides = array<i32>} : memref<512x64xf32, #tpu.memory_space<vmem>>, vector<16xf32>,
      %get3A_705 = arith.index_cast %add3A_683 : i32 to index
      %get3A_706 = arith.constant 32 : index
      %get3A_707 = tpu.vector_load %arg8[%get3A_705, %get3A_706] {strides = array<i32>} : memref<512x64xf32, #tpu.memory_space<vmem>>, vector<16xf32>,
      %mul3A_708 = arith.mulf %get3A_704, %get3A_707 : vector<16xf32>
      %add3A_709 = arith.addf %add3A_701, %mul3A_708 : vector<16xf32>
      %get3A_710 = arith.index_cast %add3A_683 : i32 to index
      %get3A_711 = arith.constant 48 : index
      %get3A_712 = tpu.vector_load %arg7[%get3A_710, %get3A_711] {strides = array<i32>} : memref<512x64xf32, #tpu.memory_space<vmem>>, vector<16xf32>,
      %get3A_713 = arith.index_cast %add3A_683 : i32 to index
      %get3A_714 = arith.constant 48 : index
      %get3A_715 = tpu.vector_load %arg8[%get3A_713, %get3A_714] {strides = array<i32>} : memref<512x64xf32, #tpu.memory_space<vmem>>, vector<16xf32>,
      %mul3A_716 = arith.mulf %get3A_712, %get3A_715 : vector<16xf32>
      %add3A_717 = arith.addf %add3A_709, %mul3A_716 : vector<16xf32>
      %mul3A_718 = arith.constant 16 : i32
      %mul3A_719 = vector.broadcast %mul3A_718 : i32 to vector<16xi32>
      %mul3A_720 = arith.muli %iota3A, %mul3A_719 : vector<16xi32>
      %add3A_721 = arith.constant 11 : i32
      %add3A_722 = vector.broadcast %add3A_721 : i32 to vector<16xi32>
      %add3A_723 = arith.addi %mul3A_720, %add3A_722 : vector<16xi32>
      tpu.vector_store_idx %arg9[%add3A_723], %add3A_717 : memref<256xf32, #tpu.memory_space<vmem>>[vector<16xi32>], vector<16xf32>,
      %mul3A_724 = arith.constant 16 : i32
      %mul3A_725 = arith.muli %scan3A_197, %mul3A_724 : i32
      %add3A_726 = arith.constant 12 : i32
      %add3A_727 = arith.addi %mul3A_725, %add3A_726 : i32
      %broadcast_in_dim3A_728 = arith.constant 0.000000e+00 : f32
      %broadcast_in_dim3A_729 = vector.broadcast %broadcast_in_dim3A_728 : f32 to vector<16xf32>
      %get3A_730 = arith.index_cast %add3A_727 : i32 to index
      %get3A_731 = arith.constant 0 : index
      %get3A_732 = tpu.vector_load %arg7[%get3A_730, %get3A_731] {strides = array<i32>} : memref<512x64xf32, #tpu.memory_space<vmem>>, vector<16xf32>,
      %get3A_733 = arith.index_cast %add3A_727 : i32 to index
      %get3A_734 = arith.constant 0 : index
      %get3A_735 = tpu.vector_load %arg8[%get3A_733, %get3A_734] {strides = array<i32>} : memref<512x64xf32, #tpu.memory_space<vmem>>, vector<16xf32>,
      %mul3A_736 = arith.mulf %get3A_732, %get3A_735 : vector<16xf32>
      %add3A_737 = arith.addf %broadcast_in_dim3A_729, %mul3A_736 : vector<16xf32>
      %get3A_738 = arith.index_cast %add3A_727 : i32 to index
      %get3A_739 = arith.constant 16 : index
      %get3A_740 = tpu.vector_load %arg7[%get3A_738, %get3A_739] {strides = array<i32>} : memref<512x64xf32, #tpu.memory_space<vmem>>, vector<16xf32>,
      %get3A_741 = arith.index_cast %add3A_727 : i32 to index
      %get3A_742 = arith.constant 16 : index
      %get3A_743 = tpu.vector_load %arg8[%get3A_741, %get3A_742] {strides = array<i32>} : memref<512x64xf32, #tpu.memory_space<vmem>>, vector<16xf32>,
      %mul3A_744 = arith.mulf %get3A_740, %get3A_743 : vector<16xf32>
      %add3A_745 = arith.addf %add3A_737, %mul3A_744 : vector<16xf32>
      %get3A_746 = arith.index_cast %add3A_727 : i32 to index
      %get3A_747 = arith.constant 32 : index
      %get3A_748 = tpu.vector_load %arg7[%get3A_746, %get3A_747] {strides = array<i32>} : memref<512x64xf32, #tpu.memory_space<vmem>>, vector<16xf32>,
      %get3A_749 = arith.index_cast %add3A_727 : i32 to index
      %get3A_750 = arith.constant 32 : index
      %get3A_751 = tpu.vector_load %arg8[%get3A_749, %get3A_750] {strides = array<i32>} : memref<512x64xf32, #tpu.memory_space<vmem>>, vector<16xf32>,
      %mul3A_752 = arith.mulf %get3A_748, %get3A_751 : vector<16xf32>
      %add3A_753 = arith.addf %add3A_745, %mul3A_752 : vector<16xf32>
      %get3A_754 = arith.index_cast %add3A_727 : i32 to index
      %get3A_755 = arith.constant 48 : index
      %get3A_756 = tpu.vector_load %arg7[%get3A_754, %get3A_755] {strides = array<i32>} : memref<512x64xf32, #tpu.memory_space<vmem>>, vector<16xf32>,
      %get3A_757 = arith.index_cast %add3A_727 : i32 to index
      %get3A_758 = arith.constant 48 : index
      %get3A_759 = tpu.vector_load %arg8[%get3A_757, %get3A_758] {strides = array<i32>} : memref<512x64xf32, #tpu.memory_space<vmem>>, vector<16xf32>,
      %mul3A_760 = arith.mulf %get3A_756, %get3A_759 : vector<16xf32>
      %add3A_761 = arith.addf %add3A_753, %mul3A_760 : vector<16xf32>
      %mul3A_762 = arith.constant 16 : i32
      %mul3A_763 = vector.broadcast %mul3A_762 : i32 to vector<16xi32>
      %mul3A_764 = arith.muli %iota3A, %mul3A_763 : vector<16xi32>
      %add3A_765 = arith.constant 12 : i32
      %add3A_766 = vector.broadcast %add3A_765 : i32 to vector<16xi32>
      %add3A_767 = arith.addi %mul3A_764, %add3A_766 : vector<16xi32>
      tpu.vector_store_idx %arg9[%add3A_767], %add3A_761 : memref<256xf32, #tpu.memory_space<vmem>>[vector<16xi32>], vector<16xf32>,
      %mul3A_768 = arith.constant 16 : i32
      %mul3A_769 = arith.muli %scan3A_197, %mul3A_768 : i32
      %add3A_770 = arith.constant 13 : i32
      %add3A_771 = arith.addi %mul3A_769, %add3A_770 : i32
      %broadcast_in_dim3A_772 = arith.constant 0.000000e+00 : f32
      %broadcast_in_dim3A_773 = vector.broadcast %broadcast_in_dim3A_772 : f32 to vector<16xf32>
      %get3A_774 = arith.index_cast %add3A_771 : i32 to index
      %get3A_775 = arith.constant 0 : index
      %get3A_776 = tpu.vector_load %arg7[%get3A_774, %get3A_775] {strides = array<i32>} : memref<512x64xf32, #tpu.memory_space<vmem>>, vector<16xf32>,
      %get3A_777 = arith.index_cast %add3A_771 : i32 to index
      %get3A_778 = arith.constant 0 : index
      %get3A_779 = tpu.vector_load %arg8[%get3A_777, %get3A_778] {strides = array<i32>} : memref<512x64xf32, #tpu.memory_space<vmem>>, vector<16xf32>,
      %mul3A_780 = arith.mulf %get3A_776, %get3A_779 : vector<16xf32>
      %add3A_781 = arith.addf %broadcast_in_dim3A_773, %mul3A_780 : vector<16xf32>
      %get3A_782 = arith.index_cast %add3A_771 : i32 to index
      %get3A_783 = arith.constant 16 : index
      %get3A_784 = tpu.vector_load %arg7[%get3A_782, %get3A_783] {strides = array<i32>} : memref<512x64xf32, #tpu.memory_space<vmem>>, vector<16xf32>,
      %get3A_785 = arith.index_cast %add3A_771 : i32 to index
      %get3A_786 = arith.constant 16 : index
      %get3A_787 = tpu.vector_load %arg8[%get3A_785, %get3A_786] {strides = array<i32>} : memref<512x64xf32, #tpu.memory_space<vmem>>, vector<16xf32>,
      %mul3A_788 = arith.mulf %get3A_784, %get3A_787 : vector<16xf32>
      %add3A_789 = arith.addf %add3A_781, %mul3A_788 : vector<16xf32>
      %get3A_790 = arith.index_cast %add3A_771 : i32 to index
      %get3A_791 = arith.constant 32 : index
      %get3A_792 = tpu.vector_load %arg7[%get3A_790, %get3A_791] {strides = array<i32>} : memref<512x64xf32, #tpu.memory_space<vmem>>, vector<16xf32>,
      %get3A_793 = arith.index_cast %add3A_771 : i32 to index
      %get3A_794 = arith.constant 32 : index
      %get3A_795 = tpu.vector_load %arg8[%get3A_793, %get3A_794] {strides = array<i32>} : memref<512x64xf32, #tpu.memory_space<vmem>>, vector<16xf32>,
      %mul3A_796 = arith.mulf %get3A_792, %get3A_795 : vector<16xf32>
      %add3A_797 = arith.addf %add3A_789, %mul3A_796 : vector<16xf32>
      %get3A_798 = arith.index_cast %add3A_771 : i32 to index
      %get3A_799 = arith.constant 48 : index
      %get3A_800 = tpu.vector_load %arg7[%get3A_798, %get3A_799] {strides = array<i32>} : memref<512x64xf32, #tpu.memory_space<vmem>>, vector<16xf32>,
      %get3A_801 = arith.index_cast %add3A_771 : i32 to index
      %get3A_802 = arith.constant 48 : index
      %get3A_803 = tpu.vector_load %arg8[%get3A_801, %get3A_802] {strides = array<i32>} : memref<512x64xf32, #tpu.memory_space<vmem>>, vector<16xf32>,
      %mul3A_804 = arith.mulf %get3A_800, %get3A_803 : vector<16xf32>
      %add3A_805 = arith.addf %add3A_797, %mul3A_804 : vector<16xf32>
      %mul3A_806 = arith.constant 16 : i32
      %mul3A_807 = vector.broadcast %mul3A_806 : i32 to vector<16xi32>
      %mul3A_808 = arith.muli %iota3A, %mul3A_807 : vector<16xi32>
      %add3A_809 = arith.constant 13 : i32
      %add3A_810 = vector.broadcast %add3A_809 : i32 to vector<16xi32>
      %add3A_811 = arith.addi %mul3A_808, %add3A_810 : vector<16xi32>
      tpu.vector_store_idx %arg9[%add3A_811], %add3A_805 : memref<256xf32, #tpu.memory_space<vmem>>[vector<16xi32>], vector<16xf32>,
      %mul3A_812 = arith.constant 16 : i32
      %mul3A_813 = arith.muli %scan3A_197, %mul3A_812 : i32
      %add3A_814 = arith.constant 14 : i32
      %add3A_815 = arith.addi %mul3A_813, %add3A_814 : i32
      %broadcast_in_dim3A_816 = arith.constant 0.000000e+00 : f32
      %broadcast_in_dim3A_817 = vector.broadcast %broadcast_in_dim3A_816 : f32 to vector<16xf32>
      %get3A_818 = arith.index_cast %add3A_815 : i32 to index
      %get3A_819 = arith.constant 0 : index
      %get3A_820 = tpu.vector_load %arg7[%get3A_818, %get3A_819] {strides = array<i32>} : memref<512x64xf32, #tpu.memory_space<vmem>>, vector<16xf32>,
      %get3A_821 = arith.index_cast %add3A_815 : i32 to index
      %get3A_822 = arith.constant 0 : index
      %get3A_823 = tpu.vector_load %arg8[%get3A_821, %get3A_822] {strides = array<i32>} : memref<512x64xf32, #tpu.memory_space<vmem>>, vector<16xf32>,
      %mul3A_824 = arith.mulf %get3A_820, %get3A_823 : vector<16xf32>
      %add3A_825 = arith.addf %broadcast_in_dim3A_817, %mul3A_824 : vector<16xf32>
      %get3A_826 = arith.index_cast %add3A_815 : i32 to index
      %get3A_827 = arith.constant 16 : index
      %get3A_828 = tpu.vector_load %arg7[%get3A_826, %get3A_827] {strides = array<i32>} : memref<512x64xf32, #tpu.memory_space<vmem>>, vector<16xf32>,
      %get3A_829 = arith.index_cast %add3A_815 : i32 to index
      %get3A_830 = arith.constant 16 : index
      %get3A_831 = tpu.vector_load %arg8[%get3A_829, %get3A_830] {strides = array<i32>} : memref<512x64xf32, #tpu.memory_space<vmem>>, vector<16xf32>,
      %mul3A_832 = arith.mulf %get3A_828, %get3A_831 : vector<16xf32>
      %add3A_833 = arith.addf %add3A_825, %mul3A_832 : vector<16xf32>
      %get3A_834 = arith.index_cast %add3A_815 : i32 to index
      %get3A_835 = arith.constant 32 : index
      %get3A_836 = tpu.vector_load %arg7[%get3A_834, %get3A_835] {strides = array<i32>} : memref<512x64xf32, #tpu.memory_space<vmem>>, vector<16xf32>,
      %get3A_837 = arith.index_cast %add3A_815 : i32 to index
      %get3A_838 = arith.constant 32 : index
      %get3A_839 = tpu.vector_load %arg8[%get3A_837, %get3A_838] {strides = array<i32>} : memref<512x64xf32, #tpu.memory_space<vmem>>, vector<16xf32>,
      %mul3A_840 = arith.mulf %get3A_836, %get3A_839 : vector<16xf32>
      %add3A_841 = arith.addf %add3A_833, %mul3A_840 : vector<16xf32>
      %get3A_842 = arith.index_cast %add3A_815 : i32 to index
      %get3A_843 = arith.constant 48 : index
      %get3A_844 = tpu.vector_load %arg7[%get3A_842, %get3A_843] {strides = array<i32>} : memref<512x64xf32, #tpu.memory_space<vmem>>, vector<16xf32>,
      %get3A_845 = arith.index_cast %add3A_815 : i32 to index
      %get3A_846 = arith.constant 48 : index
      %get3A_847 = tpu.vector_load %arg8[%get3A_845, %get3A_846] {strides = array<i32>} : memref<512x64xf32, #tpu.memory_space<vmem>>, vector<16xf32>,
      %mul3A_848 = arith.mulf %get3A_844, %get3A_847 : vector<16xf32>
      %add3A_849 = arith.addf %add3A_841, %mul3A_848 : vector<16xf32>
      %mul3A_850 = arith.constant 16 : i32
      %mul3A_851 = vector.broadcast %mul3A_850 : i32 to vector<16xi32>
      %mul3A_852 = arith.muli %iota3A, %mul3A_851 : vector<16xi32>
      %add3A_853 = arith.constant 14 : i32
      %add3A_854 = vector.broadcast %add3A_853 : i32 to vector<16xi32>
      %add3A_855 = arith.addi %mul3A_852, %add3A_854 : vector<16xi32>
      tpu.vector_store_idx %arg9[%add3A_855], %add3A_849 : memref<256xf32, #tpu.memory_space<vmem>>[vector<16xi32>], vector<16xf32>,
      %mul3A_856 = arith.constant 16 : i32
      %mul3A_857 = arith.muli %scan3A_197, %mul3A_856 : i32
      %add3A_858 = arith.constant 15 : i32
      %add3A_859 = arith.addi %mul3A_857, %add3A_858 : i32
      %broadcast_in_dim3A_860 = arith.constant 0.000000e+00 : f32
      %broadcast_in_dim3A_861 = vector.broadcast %broadcast_in_dim3A_860 : f32 to vector<16xf32>
      %get3A_862 = arith.index_cast %add3A_859 : i32 to index
      %get3A_863 = arith.constant 0 : index
      %get3A_864 = tpu.vector_load %arg7[%get3A_862, %get3A_863] {strides = array<i32>} : memref<512x64xf32, #tpu.memory_space<vmem>>, vector<16xf32>,
      %get3A_865 = arith.index_cast %add3A_859 : i32 to index
      %get3A_866 = arith.constant 0 : index
      %get3A_867 = tpu.vector_load %arg8[%get3A_865, %get3A_866] {strides = array<i32>} : memref<512x64xf32, #tpu.memory_space<vmem>>, vector<16xf32>,
      %mul3A_868 = arith.mulf %get3A_864, %get3A_867 : vector<16xf32>
      %add3A_869 = arith.addf %broadcast_in_dim3A_861, %mul3A_868 : vector<16xf32>
      %get3A_870 = arith.index_cast %add3A_859 : i32 to index
      %get3A_871 = arith.constant 16 : index
      %get3A_872 = tpu.vector_load %arg7[%get3A_870, %get3A_871] {strides = array<i32>} : memref<512x64xf32, #tpu.memory_space<vmem>>, vector<16xf32>,
      %get3A_873 = arith.index_cast %add3A_859 : i32 to index
      %get3A_874 = arith.constant 16 : index
      %get3A_875 = tpu.vector_load %arg8[%get3A_873, %get3A_874] {strides = array<i32>} : memref<512x64xf32, #tpu.memory_space<vmem>>, vector<16xf32>,
      %mul3A_876 = arith.mulf %get3A_872, %get3A_875 : vector<16xf32>
      %add3A_877 = arith.addf %add3A_869, %mul3A_876 : vector<16xf32>
      %get3A_878 = arith.index_cast %add3A_859 : i32 to index
      %get3A_879 = arith.constant 32 : index
      %get3A_880 = tpu.vector_load %arg7[%get3A_878, %get3A_879] {strides = array<i32>} : memref<512x64xf32, #tpu.memory_space<vmem>>, vector<16xf32>,
      %get3A_881 = arith.index_cast %add3A_859 : i32 to index
      %get3A_882 = arith.constant 32 : index
      %get3A_883 = tpu.vector_load %arg8[%get3A_881, %get3A_882] {strides = array<i32>} : memref<512x64xf32, #tpu.memory_space<vmem>>, vector<16xf32>,
      %mul3A_884 = arith.mulf %get3A_880, %get3A_883 : vector<16xf32>
      %add3A_885 = arith.addf %add3A_877, %mul3A_884 : vector<16xf32>
      %get3A_886 = arith.index_cast %add3A_859 : i32 to index
      %get3A_887 = arith.constant 48 : index
      %get3A_888 = tpu.vector_load %arg7[%get3A_886, %get3A_887] {strides = array<i32>} : memref<512x64xf32, #tpu.memory_space<vmem>>, vector<16xf32>,
      %get3A_889 = arith.index_cast %add3A_859 : i32 to index
      %get3A_890 = arith.constant 48 : index
      %get3A_891 = tpu.vector_load %arg8[%get3A_889, %get3A_890] {strides = array<i32>} : memref<512x64xf32, #tpu.memory_space<vmem>>, vector<16xf32>,
      %mul3A_892 = arith.mulf %get3A_888, %get3A_891 : vector<16xf32>
      %add3A_893 = arith.addf %add3A_885, %mul3A_892 : vector<16xf32>
      %mul3A_894 = arith.constant 16 : i32
      %mul3A_895 = vector.broadcast %mul3A_894 : i32 to vector<16xi32>
      %mul3A_896 = arith.muli %iota3A, %mul3A_895 : vector<16xi32>
      %add3A_897 = arith.constant 15 : i32
      %add3A_898 = vector.broadcast %add3A_897 : i32 to vector<16xi32>
      %add3A_899 = arith.addi %mul3A_896, %add3A_898 : vector<16xi32>
      tpu.vector_store_idx %arg9[%add3A_899], %add3A_893 : memref<256xf32, #tpu.memory_space<vmem>>[vector<16xi32>], vector<16xf32>,
      %broadcast_in_dim3A_900 = arith.constant 0.000000e+00 : f32
      %broadcast_in_dim3A_901 = vector.broadcast %broadcast_in_dim3A_900 : f32 to vector<16xf32>
      %get3A_902 = arith.constant 0 : index
      %get3A_903 = tpu.vector_load %arg9[%get3A_902] {strides = array<i32>} : memref<256xf32, #tpu.memory_space<vmem>>, vector<16xf32>,
      %add3A_904 = arith.addf %broadcast_in_dim3A_901, %get3A_903 : vector<16xf32>
      %get3A_905 = arith.constant 16 : index
      %get3A_906 = tpu.vector_load %arg9[%get3A_905] {strides = array<i32>} : memref<256xf32, #tpu.memory_space<vmem>>, vector<16xf32>,
      %add3A_907 = arith.addf %add3A_904, %get3A_906 : vector<16xf32>
      %get3A_908 = arith.constant 32 : index
      %get3A_909 = tpu.vector_load %arg9[%get3A_908] {strides = array<i32>} : memref<256xf32, #tpu.memory_space<vmem>>, vector<16xf32>,
      %add3A_910 = arith.addf %add3A_907, %get3A_909 : vector<16xf32>
      %get3A_911 = arith.constant 48 : index
      %get3A_912 = tpu.vector_load %arg9[%get3A_911] {strides = array<i32>} : memref<256xf32, #tpu.memory_space<vmem>>, vector<16xf32>,
      %add3A_913 = arith.addf %add3A_910, %get3A_912 : vector<16xf32>
      %get3A_914 = arith.constant 64 : index
      %get3A_915 = tpu.vector_load %arg9[%get3A_914] {strides = array<i32>} : memref<256xf32, #tpu.memory_space<vmem>>, vector<16xf32>,
      %add3A_916 = arith.addf %add3A_913, %get3A_915 : vector<16xf32>
      %get3A_917 = arith.constant 80 : index
      %get3A_918 = tpu.vector_load %arg9[%get3A_917] {strides = array<i32>} : memref<256xf32, #tpu.memory_space<vmem>>, vector<16xf32>,
      %add3A_919 = arith.addf %add3A_916, %get3A_918 : vector<16xf32>
      %get3A_920 = arith.constant 96 : index
      %get3A_921 = tpu.vector_load %arg9[%get3A_920] {strides = array<i32>} : memref<256xf32, #tpu.memory_space<vmem>>, vector<16xf32>,
      %add3A_922 = arith.addf %add3A_919, %get3A_921 : vector<16xf32>
      %get3A_923 = arith.constant 112 : index
      %get3A_924 = tpu.vector_load %arg9[%get3A_923] {strides = array<i32>} : memref<256xf32, #tpu.memory_space<vmem>>, vector<16xf32>,
      %add3A_925 = arith.addf %add3A_922, %get3A_924 : vector<16xf32>
      %get3A_926 = arith.constant 128 : index
      %get3A_927 = tpu.vector_load %arg9[%get3A_926] {strides = array<i32>} : memref<256xf32, #tpu.memory_space<vmem>>, vector<16xf32>,
      %add3A_928 = arith.addf %add3A_925, %get3A_927 : vector<16xf32>
      %get3A_929 = arith.constant 144 : index
      %get3A_930 = tpu.vector_load %arg9[%get3A_929] {strides = array<i32>} : memref<256xf32, #tpu.memory_space<vmem>>, vector<16xf32>,
      %add3A_931 = arith.addf %add3A_928, %get3A_930 : vector<16xf32>
      %get3A_932 = arith.constant 160 : index
      %get3A_933 = tpu.vector_load %arg9[%get3A_932] {strides = array<i32>} : memref<256xf32, #tpu.memory_space<vmem>>, vector<16xf32>,
      %add3A_934 = arith.addf %add3A_931, %get3A_933 : vector<16xf32>
      %get3A_935 = arith.constant 176 : index
      %get3A_936 = tpu.vector_load %arg9[%get3A_935] {strides = array<i32>} : memref<256xf32, #tpu.memory_space<vmem>>, vector<16xf32>,
      %add3A_937 = arith.addf %add3A_934, %get3A_936 : vector<16xf32>
      %get3A_938 = arith.constant 192 : index
      %get3A_939 = tpu.vector_load %arg9[%get3A_938] {strides = array<i32>} : memref<256xf32, #tpu.memory_space<vmem>>, vector<16xf32>,
      %add3A_940 = arith.addf %add3A_937, %get3A_939 : vector<16xf32>
      %get3A_941 = arith.constant 208 : index
      %get3A_942 = tpu.vector_load %arg9[%get3A_941] {strides = array<i32>} : memref<256xf32, #tpu.memory_space<vmem>>, vector<16xf32>,
      %add3A_943 = arith.addf %add3A_940, %get3A_942 : vector<16xf32>
      %get3A_944 = arith.constant 224 : index
      %get3A_945 = tpu.vector_load %arg9[%get3A_944] {strides = array<i32>} : memref<256xf32, #tpu.memory_space<vmem>>, vector<16xf32>,
      %add3A_946 = arith.addf %add3A_943, %get3A_945 : vector<16xf32>
      %get3A_947 = arith.constant 240 : index
      %get3A_948 = tpu.vector_load %arg9[%get3A_947] {strides = array<i32>} : memref<256xf32, #tpu.memory_space<vmem>>, vector<16xf32>,
      %add3A_949 = arith.addf %add3A_946, %get3A_948 : vector<16xf32>
      %neg3A = arith.constant 0.000000e+00 : f32
      %neg3A_950 = vector.broadcast %neg3A : f32 to vector<16xf32>
      %neg3A_951 = arith.subf %neg3A_950, %add3A_949 : vector<16xf32>
      %exp3A = math.exp %neg3A_951 : vector<16xf32>
      %add3A_952 = arith.constant 1.000000e+00 : f32
      %add3A_953 = vector.broadcast %add3A_952 : f32 to vector<16xf32>
      %add3A_954 = arith.addf %add3A_953, %exp3A : vector<16xf32>
      %div3A = arith.constant 1.000000e+00 : f32
      %div3A_955 = vector.broadcast %div3A : f32 to vector<16xf32>
      %div3A_956 = arith.divf %div3A_955, %add3A_954 : vector<16xf32>
      %mul3A_957 = arith.constant 16 : i32
      %mul3A_958 = arith.muli %scan3A_197, %mul3A_957 : i32
      %swap3A = arith.index_cast %mul3A_958 : i32 to index
      %swap3A_959 = tpu.vector_load %arg10[%swap3A] {strides = array<i32>} : memref<512xf32, #tpu.memory_space<vmem>>, vector<16xf32>,
      tpu.vector_store %arg10[%swap3A], %div3A_956 {strides = array<i32>} : memref<512xf32, #tpu.memory_space<vmem>>, vector<16xf32>,
    }
    %scan3A_196 = arith.constant 32 : i32
    "tpu.region"() ({
      %run_scoped3A_197 = tpu.sem_alloc : memref<!tpu.dma_semaphore, #tpu.memory_space<semaphore_mem>>
      %dma_start3A_198 = tpu.memref_slice %arg4[%mul3A_2] : memref<16384xf32, #tpu.memory_space<hbm>> -> memref<512xf32, #tpu.memory_space<hbm>>
      %dma_start3A_199 = tpu.memref_slice %arg4[%mul3A_2] : memref<16384xf32, #tpu.memory_space<hbm>> -> memref<512xf32, #tpu.memory_space<hbm>>
      tpu.enqueue_dma source(%arg10 : memref<512xf32, #tpu.memory_space<vmem>>) target(%dma_start3A_199 : memref<512xf32, #tpu.memory_space<hbm>>) target_semaphore(%run_scoped3A_197 : memref<!tpu.dma_semaphore, #tpu.memory_space<semaphore_mem>>)
      %dma_wait3A_200 = tpu.memref_slice %arg4[%mul3A_2] : memref<16384xf32, #tpu.memory_space<hbm>> -> memref<512xf32, #tpu.memory_space<hbm>>
      %dma_wait3A_201 = tpu.memref_slice %arg4[%mul3A_2] : memref<16384xf32, #tpu.memory_space<hbm>> -> memref<512xf32, #tpu.memory_space<hbm>>
      tpu.wait_dma2 semaphore(%run_scoped3A_197 : memref<!tpu.dma_semaphore, #tpu.memory_space<semaphore_mem>>) src(%arg10 : memref<512xf32, #tpu.memory_space<vmem>>) dst(%dma_wait3A_201 : memref<512xf32, #tpu.memory_space<hbm>>)
      tpu.yield
    }) : () -> ()
    return
  }
}

</mosaic_0001>

<sc_bundles>
// kernel: _run.3.cloned.1.call-start
scs
__scs_entry_jumppad:
0x0: {  	(pc) =	sbr.rel $0x88, $3  }
0x1: {  	(tag) =	ssettag $0x0;
	lr =	simm.s32 $0x1  }
0x2: {  	[smem:$0x3F9F] =	sst lr;
	_ =	strace $0xD0000000  }
0x3: {  	_ = 	snop  }
0x4: {  	_ = 	snop  }
0x5: {  	_ = 	snop  }
0x6: {  	_ = 	snop  }
0x7: {  	_ = 	snop  }
__scs_overlays_trampoline_lowered:
0x8: {  	[smem:$0x3FAE] =	sst s0  }
0x9: {  	[smem:$0x3FAF] =	sst s1  }
0xa: {  	[smem:$0x3FB0] =	sst s2  }
0xb: {  	[smem:$0x3FB1] =	sst s3  }
0xc: {  	[smem:$0x3FB2] =	sst s4  }
0xd: {  	[smem:$0x3FB3] =	sst s5  }
0xe: {  	[smem:$0x3FB4] =	sst s6  }
0xf: {  	[smem:$0x3FB5] =	sst s7  }
0x10: {  	[smem:$0x3FB6] =	sst s8  }
0x11: {  	[smem:$0x3FB7] =	sst s9;
	s0 =	simm.s32 @!p0 $0x0  }
0x12: {  	s1 =	sld [smem:$0x3F9D];
	s0 =	simm.s32 @p0 $0x1  }
0x13: {  	[smem:$0x3FB8] =	sst s0;
	s0 =	simm.s32 @!p1 $0x0  }
0x14: {  	s2 =	sld [smem:$0x3F9C];
	s0 =	simm.s32 @p1 $0x1  }
0x15: {  	[smem:$0x3FB9] =	sst s0;
	s0 =	simm.s32 @!p2 $0x0  }
0x16: {  	s3 =	sld [smem:$0x3FDB];
	s0 =	simm.s32 @p2 $0x1  }
0x17: {  	s4 =	simm.s32 $0x1BF5;
	[smem:$0x3FBB] =	sst s0  }
0x18: {  	s0 =	sld [smem:$0x3F9E];
	_ =	swait.ge [sflag:s4], $0x0  }
0x19: {  	s7 =	sld [smem:$0x3F9F]  }
0x1a: {  	s8 =	sadd.s32 $0xFFFFE003, lr  }
0x1b: {  	s9 =	sadd.s32 $0xFFFFFEF7, lr;
	s5 =	simm.s32 $0xFFFFFFFF;
	p2 =	slt.u32 s8, $0xFFFFF086  }
0x1c: {  	p1 =	slt.u32 s9, $0xF7A;
	s5 =	simm.s32 @!p2 $0x0  }
0x1d: {  	s5 =	simm.s32 @p1 $0x1;
	p0 =	seq.s32 s7, s2  }
0x1e: {  	s7 =	smul.u32 @!p0 $0xF7A, s2;
	p2 =	seq.s32 @!p0 s5, $0x0  }
0x1f: {  	s9 =	smul.u32 $0xF7A, s1;
	s8 =	simm.s32 @!p0 $0x1BF5;
	p2 =	por !p2, p0  }
0x20: {  	[sflag:s8] =	ssyncset.s32 @!p0 $0xFFFFF086;
	s6 =	sadd.s32 @!p0 s3, s7;
	s7 =	simm.s32 @!p0 $0x108  }
0x21: {  	s3 =	sadd.s32 s3, s9;
	s6 =	sadd.s32 @!p0 $0x88, s6;
	s7 =	simm.s32 @p2 $0x1082  }
0x22: {  	[simem:s7], [sflag:s8] =	dma.local @!p0 [hbm:s6], $0xF7A  }
0x23: {  	s9 =	sor.u32 $0xD0000000, s2;
	s6 =	simm.s32 $0x108;
	_ =	swait.ge @!p0 [sflag:s8], $0x0  }
0x24: {  	s3 =	sadd.s32 $0x88, s3;
	s6 =	simm.s32 @!p1 $0x1082;
	[sflag:s4] =	ssyncset.s32 $0xFFFFF086  }
0x25: {  	[simem:s6], [sflag:s4] =	dma.local [hbm:s3], $0xF7A  }
0x26: {  	[smem:$0x3F9F] =	sst s1;
	(tag) =	ssettag s2;
	_ =	strace s9  }
0x27: {  	s1 =	sld [smem:$0x3FAF]  }
0x28: {  	s2 =	sld [smem:$0x3FB0]  }
0x29: {  	s4 =	sld [smem:$0x3FB2]  }
0x2a: {  	p0 =	seq.s32 s5, $0x0;
	s5 =	sld [smem:$0x3FB3]  }
0x2b: {  	s6 =	sld [smem:$0x3FB4]  }
0x2c: {  	s7 =	sld [smem:$0x3FB5]  }
0x2d: {  	s3 =	simm.s32 $0x108;
	s8 =	sld [smem:$0x3FB6]  }
0x2e: {  	s3 =	simm.s32 @!p0 $0x1082;
	s9 =	sld [smem:$0x3FB7]  }
0x2f: {  	lr =	sadd.s32 s0, s3;
	s0 =	sld [smem:$0x3FAE]  }
0x30: {  	s3 =	sld [smem:$0x3FB1]  }
0x31: {  	[smem:$0x3FBA] =	sst s10  }
0x32: {  	s10 =	sld [smem:$0x3FB8];
	_ =	sdelay $0x3  }
0x33: {  	p0 =	seq.s32 s10, $0x1;
	s10 =	sld [smem:$0x3FBA];
	_ =	sdelay $0x3  }
0x34: {  	[smem:$0x3FBA] =	sst s10  }
0x35: {  	s10 =	sld [smem:$0x3FB9];
	_ =	sdelay $0x3  }
0x36: {  	p1 =	seq.s32 s10, $0x1;
	s10 =	sld [smem:$0x3FBA];
	_ =	sdelay $0x3  }
0x37: {  	[smem:$0x3FBA] =	sst s10  }
0x38: {  	s10 =	sld [smem:$0x3FBB]  }
0x39: {  	_ = 	snop;
	(pc) =	sbr.ind lr, $3  }
0x3a: {  	_ = 	snop  }
0x3b: {  	_ = 	snop  }
0x3c: {  	p2 =	seq.s32 s10, $0x1;
	s10 =	sld [smem:$0x3FBA]  }
0x3d: {  	_ =	shalt  }
0x3e: {  	_ =	shalt  }
0x3f: {  	_ =	shalt  }
0x40: {  	_ =	shalt  }
0x41: {  	_ =	shalt  }
0x42: {  	_ =	shalt  }
0x43: {  	_ =	shalt  }
0x44: {  	_ =	shalt  }
0x45: {  	_ =	shalt  }
0x46: {  	_ =	shalt  }
0x47: {  	_ =	shalt  }
0x48: {  	_ =	shalt  }
0x49: {  	_ =	shalt  }
0x4a: {  	_ =	shalt  }
0x4b: {  	_ =	shalt  }
0x4c: {  	_ =	shalt  }
0x4d: {  	_ =	shalt  }
0x4e: {  	_ =	shalt  }
0x4f: {  	_ =	shalt  }
0x50: {  	_ =	shalt  }
0x51: {  	_ =	shalt  }
0x52: {  	_ =	shalt  }
0x53: {  	_ =	shalt  }
0x54: {  	_ =	shalt  }
0x55: {  	_ =	shalt  }
0x56: {  	_ =	shalt  }
0x57: {  	_ =	shalt  }
0x58: {  	_ =	shalt  }
0x59: {  	_ =	shalt  }
0x5a: {  	_ =	shalt  }
0x5b: {  	_ =	shalt  }
0x5c: {  	_ =	shalt  }
0x5d: {  	_ =	shalt  }
0x5e: {  	_ =	shalt  }
0x5f: {  	_ =	shalt  }
0x60: {  	_ =	shalt  }
0x61: {  	_ =	shalt  }
0x62: {  	_ =	shalt  }
0x63: {  	_ =	shalt  }
0x64: {  	_ =	shalt  }
0x65: {  	_ =	shalt  }
0x66: {  	_ =	shalt  }
0x67: {  	_ =	shalt  }
0x68: {  	_ =	shalt  }
0x69: {  	_ =	shalt  }
0x6a: {  	_ =	shalt  }
0x6b: {  	_ =	shalt  }
0x6c: {  	_ =	shalt  }
0x6d: {  	_ =	shalt  }
0x6e: {  	_ =	shalt  }
0x6f: {  	_ =	shalt  }
0x70: {  	_ =	shalt  }
0x71: {  	_ =	shalt  }
0x72: {  	_ =	shalt  }
0x73: {  	_ =	shalt  }
0x74: {  	_ =	shalt  }
0x75: {  	_ =	shalt  }
0x76: {  	_ =	shalt  }
0x77: {  	_ =	shalt  }
0x78: {  	_ =	shalt  }
0x79: {  	_ =	shalt  }
0x7a: {  	_ =	shalt  }
0x7b: {  	_ =	shalt  }
0x7c: {  	_ =	shalt  }
0x7d: {  	_ =	shalt  }
0x7e: {  	_ =	shalt  }
0x7f: {  	_ =	shalt  }
0x80: {  	_ =	shalt  }
0x81: {  	_ =	shalt  }
0x82: {  	_ =	shalt  }
0x83: {  	_ =	shalt  }
0x84: {  	_ =	shalt  }
0x85: {  	_ =	shalt  }
0x86: {  	_ =	shalt  }
0x87: {  	_ =	shalt  }
.Lfunc_end0:
.L_simem_size_0:
called_computation_lowered:
.L_overlay_start_0:
0x88: {  	s2 =	sld [smem:$0x3FD9]  }
0x89: {  	s3 =	sld [smem:$0x3FFE];
	_ =	sdelay $0x1  }
0x8a: {  	s1 =	srdreg.scid  }
0x8b: {  	s0 =	sand.u32 $0x1, s1  }
0x8c: {  	s17 =	sshll.u32 s0, $0xA;
	s2 =	sadd.s32 s3, s2  }
0x8d: {  	s2 =	sadd.s32 s2, s17  }
0x8e: {  	[smem:$0x3FC6] =	sst s2  }
0x8f: {  	_ = 	snop  }
0x90: {  	s2 =	sld [smem:$0x3FC9]  }
0x91: {  	s18 =	sld [smem:$0x3FD0];
	(tm) =	ssettm $0x1  }
0x92: {  	s4 =	sld [smem:$0x3FFB];
	_ =	sdelay $0x3  }
0x93: {  	_ =	strace s4  }
0x94: {  	s4 =	sld [smem:$0x3FFC];
	_ =	sdelay $0x3  }
0x95: {  	_ =	strace s4  }
0x96: {  	s4 =	sld [smem:$0x3FFD];
	_ =	sdelay $0x3  }
0x97: {  	_ =	strace s4  }
0x98: {  	_ =	strace $0x8FFFFFFF  }
0x99: {  	s19 =	sld [smem:$0x3FDB];
	_ =	sdelay $0x1  }
0x9a: {  	s5 =	simm.s32 $_scs_section_size  }
0x9b: {  	s6 =	simm.s32 $_size__tile_overlayer_lowered;
	s7 =	simm.s32 $_tile_overlayer_lowered  }
0x9c: {  	s22 =	simm.s32 $0x1BFF;
	s21 =	sshll.u32 s7, $0x1;
	s4 =	sadd.s32 s5, s19  }
0x9d: {  	s8 =	simm.s32 $0x0;
	s20 =	sshll.u32 s6, $0x1;
	s6 =	sadd.s32 s21, s4  }
0x9e: {  	[timem:s8], [sflag:s22] =	dma.local [hbm:s6], s20  }
0x9f: {  	_ =	swait.ge [sflag:s22], s20  }
0xa0: {  	s5 =	ssub.s32 $0x0, s20;
	[sflag:s22] =	ssyncset.done $0x0  }
0xa1: {  	[sflag:s22] =	ssyncadd.s32 s5;
	_ =	sdelay $0x1  }
0xa2: {  	s23 =	simm.s32 $0x1B8B  }
0xa3: {  	_ =	swait.ge [sflag:s23], $0x1  }
0xa4: {  	[sflag:s23] =	ssyncset.done $0x0  }
0xa5: {  	s25 =	simm.s32 $0x1B8E;
	s24 =	sld [smem:$0x3FFE];
	[sflag:s23] =	ssyncadd.s32 $0xFFFFFFFF  }
0xa6: {  	s26 =	simm.s32 $execute0_lowered;
	[smem:$0x3FD2] =	sst s25  }
0xa7: {  	s6 =	sshll.u32 s26, $0x1;
	_ =	strace $0x80000046;
	[dreg:$0x1] =	wrdreg $0xFFFFFFFF  }
0xa8: {  	s28 =	simm.s32 $_size_execute0_lowered;
	s4 =	sadd.s32 s4, s6;
	[dreg:$0x0] =	wrdreg $0x0  }
0xa9: {  	s6 =	sshll.u32 s28, $0x1;
	[dreg:$0x2] =	wrdreg s4  }
0xaa: {  	[dreg:$0x3] =	wrdreg s6  }
0xab: {  	[dreg:$0x4] =	wrdreg $0xC0  }
0xac: {  	_ =	task [dreg:s8], $0x5FFFF  }
0xad: {  	[dreg:$0x1] =	wrdreg $0xFFFFFFFF  }
0xae: {  	[dreg:$0x0] =	wrdreg $0x60  }
0xaf: {  	[dreg:$0x2] =	wrdreg s2  }
0xb0: {  	[dreg:$0x3] =	wrdreg s24  }
0xb1: {  	[dreg:$0x4] =	wrdreg s18  }
0xb2: {  	[dreg:$0x5] =	wrdreg $0x9  }
0xb3: {  	_ =	task.clear_ibuf [dreg:s8], $0x6FFFF;
	_ =	strace $0x90000046  }
0xb4: {  	s29 =	simm.s32 $0x9;
	_ =	strace $0x80000048  }
0xb5: {  	_ =	swait.ge [sflag:s29], $0x1  }
0xb6: {  	[sflag:s29] =	ssyncadd.s32 $0xFFFFFFFF  }
0xb7: {  	_ =	strace $0x90000048  }
0xb8: {  	_ =	sfence  }
0xb9: {  	s30 =	sld [smem:$0x0];
	_ =	sdelay $0x2  }
0xba: {  	s31 =	sshll.u32 s1, $0xD;
	s1 =	sshrl.u32 s1, $0x2  }
0xbb: {  	s3 =	sand.u32 $0x4000, s31;
	s1 =	sadd.s32 s1, s30  }
0xbc: {  	s0 =	sor.u32 s3, s0;
	s1 =	sshll.u32 s1, $0x11  }
0xbd: {  	s0 =	sor.u32 s1, s0  }
0xbe: {  	s0 =	sadd.s32 $0x8F2B, s0  }
0xbf: {  	[sflag:s0] =	ssyncadd.remote.s32 $0x1  }
0xc0: {  	_ =	sfence.sel $0xFFFF  }
0xc1: {  	[dreg:$0x0] =	wrdreg $0xFFFFFFFF;
	(pc) =	sbr.abs _section_cstart, $3  }
0xc2: {  	[dreg:$0x1] =	wrdreg $0xFFFFFFFF  }
0xc3: {  	_ =	task.clear_ibuf [dreg:s8], $0x2FFFF;
	_ =	strace $0x9FFFFFFF  }
0xc4: {  	(tm) =	ssettm $0x7FFFFFFF  }
0xc5: {  	_ =	shalt  }
tec
execute0_lowered:
.L_overlay_start_1:
0x0: {  	(tag) =	ssettag $0x1  }
0x1: {  	s0 =	rddreg [dreg:$0x0]  }
0x2: {  	s1 =	rddreg [dreg:$0x1]  }
0x3: {  	s12 =	rddreg [dreg:$0x2];
	s3 =	srdreg.scid;
	s2 =	simm.s32 $0x0  }
0x4: {  	s4 =	stileid.u32;
	s14 =	simm.s32 $0x2;
	s15 =	simm.s32 $0x200  }
0x5: {  	s16 =	simm.s32 $0x80;
	s17 =	simm.s32 $0x280;
	s18 =	simm.s32 $0x100  }
0x6: {  	s19 =	simm.s32 $0x300;
	s20 =	simm.s32 $0x180;
	s21 =	simm.s32 $0x380  }
0x7: {  	s28 =	simm.s32 $0xC400;
	s29 =	simm.s32 $0x6400;
	s30 =	simm.s32 $0xE400  }
0x8: {  	v0 =	vlaneseq.u32;
	s31 =	simm.s32 $0x1;
	s22 =	simm.s32 $0x0;
	s3 =	sand.u32 $0x1, s3  }
0x9: {  	[smem:$0x7FF] =	sst s2;
	s4 =	sshll.u32 s4, $0x7;
	v0 =	vmul.u32 $0x10, v0;
	s5 =	sshll.u32 s3, $0x6  }
0xa: {  	_ =	strace $0x80000047;
	s6 =	ssub.s32 $0x2, s3;
	s3 =	sadd.s32 $0x186E00, s1  }
0xb: {  	s1 =	simm.s32 $0x10500;
	s13 =	sor.u32 s5, s4;
	s25 =	sshrl.u32 s6, $0x1;
	v1 =	vor.u32 $0x1, v0;
	v2 =	vor.u32 $0x2, v0;
	v3 =	vor.u32 $0x3, v0  }
0xc: {  	v4 =	vor.u32 $0x4, v0;
	v5 =	vor.u32 $0x5, v0;
	v6 =	vor.u32 $0x6, v0;
	s4 =	sadd.s32 s0, s13;
	s26 =	ssub.s32 s6, s25;
	s12 =	sadd.s32 s12, s13  }
0xd: {  	v7 =	vor.u32 $0x7, v0;
	v8 =	vor.u32 $0x8, v0;
	v9 =	vor.u32 $0x9, v0;
	s0 =	simm.s32 $0x10400;
	s5 =	sadd.s32 $0x800, s4;
	s6 =	sadd.s32 $0x10, s4  }
0xe: {  	v10 =	vor.u32 $0xA, v0;
	v11 =	vor.u32 $0xB, v0;
	v12 =	vor.u32 $0xC, v0;
	s7 =	sadd.s32 $0x810, s4;
	s8 =	sadd.s32 $0x20, s4;
	s9 =	sadd.s32 $0x820, s4  }
0xf: {  	v13 =	vor.u32 $0xD, v0;
	v14 =	vor.u32 $0xE, v0;
	v15 =	vor.u32 $0xF, v0;
	s10 =	sadd.s32 $0x30, s4;
	s11 =	sadd.s32 $0x830, s4;
	s13 =	smax.u32 s26, $0x1  }
.LBB2_1:
0x10: {  	[tilespmem:s2], [sflag:$0x2] =	stream.linear.gather [hbm4b:s4+s2], $0x80, $0x38;
	[tilespmem:$0x10700] =	vst v63  }
0x11: {  	_ =	swait.ge [sflag:s14], $0x80  }
0x12: {  	[sflag:s14] =	ssyncset.done $0x0  }
0x13: {  	[sflag:s14] =	ssyncadd.s32 $0xFFFFFF80  }
0x14: {  	[tilespmem:s15], [sflag:$0x2] =	stream.linear.gather [hbm4b:s5+s2], $0x80, $0x38;
	[tilespmem:$0x10700] =	vst v63  }
0x15: {  	_ =	swait.ge [sflag:s14], $0x80  }
0x16: {  	[sflag:s14] =	ssyncset.done $0x0  }
0x17: {  	[sflag:s14] =	ssyncadd.s32 $0xFFFFFF80  }
0x18: {  	[tilespmem:s16], [sflag:$0x2] =	stream.linear.gather [hbm4b:s6+s2], $0x80, $0x38;
	[tilespmem:$0x10700] =	vst v63  }
0x19: {  	_ =	swait.ge [sflag:s14], $0x80  }
0x1a: {  	[sflag:s14] =	ssyncset.done $0x0  }
0x1b: {  	[sflag:s14] =	ssyncadd.s32 $0xFFFFFF80  }
0x1c: {  	[tilespmem:s17], [sflag:$0x2] =	stream.linear.gather [hbm4b:s7+s2], $0x80, $0x38;
	[tilespmem:$0x10700] =	vst v63  }
0x1d: {  	_ =	swait.ge [sflag:s14], $0x80  }
0x1e: {  	[sflag:s14] =	ssyncset.done $0x0  }
0x1f: {  	[sflag:s14] =	ssyncadd.s32 $0xFFFFFF80  }
0x20: {  	[tilespmem:s18], [sflag:$0x2] =	stream.linear.gather [hbm4b:s8+s2], $0x80, $0x38;
	[tilespmem:$0x10700] =	vst v63  }
0x21: {  	_ =	swait.ge [sflag:s14], $0x80  }
0x22: {  	[sflag:s14] =	ssyncset.done $0x0  }
0x23: {  	[sflag:s14] =	ssyncadd.s32 $0xFFFFFF80  }
0x24: {  	[tilespmem:s19], [sflag:$0x2] =	stream.linear.gather [hbm4b:s9+s2], $0x80, $0x38;
	[tilespmem:$0x10700] =	vst v63  }
0x25: {  	_ =	swait.ge [sflag:s14], $0x80  }
0x26: {  	[sflag:s14] =	ssyncset.done $0x0  }
0x27: {  	[sflag:s14] =	ssyncadd.s32 $0xFFFFFF80  }
0x28: {  	[tilespmem:s20], [sflag:$0x2] =	stream.linear.gather [hbm4b:s10+s2], $0x80, $0x38;
	[tilespmem:$0x10700] =	vst v63  }
0x29: {  	_ =	swait.ge [sflag:s14], $0x80  }
0x2a: {  	[sflag:s14] =	ssyncset.done $0x0  }
0x2b: {  	[sflag:s14] =	ssyncadd.s32 $0xFFFFFF80  }
0x2c: {  	[tilespmem:s21], [sflag:$0x2] =	stream.linear.gather [hbm4b:s11+s2], $0x80, $0x38;
	[tilespmem:$0x10700] =	vst v63  }
0x2d: {  	_ =	swait.ge [sflag:s14], $0x80  }
0x2e: {  	[sflag:s14] =	ssyncset.done $0x0  }
0x2f: {  	s23 =	simm.s32 $0x400;
	[sflag:s14] =	ssyncadd.s32 $0xFFFFFF80  }
0x30: {  	[tilespmem:s23], [sflag:$0x1] =	stream.indirect.gather [hbm4b:s3+s16], $0x40, s2, s16, $0xb8;
	[tilespmem:$0x10700] =	vst v63  }
0x31: {  	s25 =	simm.s32 $0x8400  }
0x32: {  	[tilespmem:s25], [sflag:$0x1] =	stream.indirect.gather [hbm4b:s3+s16], $0x40, s15, s16, $0xb8;
	[tilespmem:$0x10700] =	vst v63  }
0x33: {  	s26 =	simm.s32 $0x2400  }
0x34: {  	[tilespmem:s26], [sflag:$0x1] =	stream.indirect.gather [hbm4b:s3+s16], $0x40, s16, s16, $0xb8;
	[tilespmem:$0x10700] =	vst v63  }
0x35: {  	s24 =	simm.s32 $0xA400  }
0x36: {  	[tilespmem:s24], [sflag:$0x1] =	stream.indirect.gather [hbm4b:s3+s16], $0x40, s17, s16, $0xb8;
	[tilespmem:$0x10700] =	vst v63  }
0x37: {  	s25 =	simm.s32 $0x4400  }
0x38: {  	[tilespmem:s25], [sflag:$0x1] =	stream.indirect.gather [hbm4b:s3+s16], $0x40, s18, s16, $0xb8;
	[tilespmem:$0x10700] =	vst v63  }
0x39: {  	_ = 	snop  }
0x3a: {  	[tilespmem:s28], [sflag:$0x1] =	stream.indirect.gather [hbm4b:s3+s16], $0x40, s19, s16, $0xb8;
	[tilespmem:$0x10700] =	vst v63  }
0x3b: {  	_ = 	snop  }
0x3c: {  	[tilespmem:s29], [sflag:$0x1] =	stream.indirect.gather [hbm4b:s3+s16], $0x40, s20, s16, $0xb8;
	[tilespmem:$0x10700] =	vst v63  }
0x3d: {  	_ = 	snop  }
0x3e: {  	[tilespmem:s30], [sflag:$0x1] =	stream.indirect.gather [hbm4b:s3+s16], $0x40, s21, s16, $0xb8;
	[tilespmem:$0x10700] =	vst v63  }
0x3f: {  	_ =	swait.ge [sflag:s31], $0x2000  }
0x40: {  	[sflag:s31] =	ssyncset.done $0x0  }
0x41: {  	[sflag:s31] =	ssyncadd.s32 $0xFFFFE000  }
0x42: {  	_ =	swait.ge [sflag:s31], $0x2000  }
0x43: {  	[sflag:s31] =	ssyncset.done $0x0  }
0x44: {  	[sflag:s31] =	ssyncadd.s32 $0xFFFFE000  }
0x45: {  	_ =	swait.ge [sflag:s31], $0x2000  }
0x46: {  	[sflag:s31] =	ssyncset.done $0x0  }
0x47: {  	[sflag:s31] =	ssyncadd.s32 $0xFFFFE000  }
0x48: {  	_ =	swait.ge [sflag:s31], $0x2000  }
0x49: {  	[sflag:s31] =	ssyncset.done $0x0  }
0x4a: {  	[sflag:s31] =	ssyncadd.s32 $0xFFFFE000  }
0x4b: {  	_ =	swait.ge [sflag:s31], $0x2000  }
0x4c: {  	[sflag:s31] =	ssyncset.done $0x0  }
0x4d: {  	[sflag:s31] =	ssyncadd.s32 $0xFFFFE000  }
0x4e: {  	_ =	swait.ge [sflag:s31], $0x2000  }
0x4f: {  	[sflag:s31] =	ssyncset.done $0x0  }
0x50: {  	[sflag:s31] =	ssyncadd.s32 $0xFFFFE000  }
0x51: {  	_ =	swait.ge [sflag:s31], $0x2000  }
0x52: {  	[sflag:s31] =	ssyncset.done $0x0  }
0x53: {  	[sflag:s31] =	ssyncadd.s32 $0xFFFFE000  }
0x54: {  	_ =	swait.ge [sflag:s31], $0x2000  }
0x55: {  	[sflag:s31] =	ssyncset.done $0x0  }
0x56: {  	s26 =	simm.s32 $0x0;
	[sflag:s31] =	ssyncadd.s32 $0xFFFFE000  }
0x57: {  	v16 =	vld [tilespmem:s26+$0x400]  }
0x58: {  	v17 =	vld [tilespmem:s26+$0x8400]  }
0x59: {  	v18 =	vld [tilespmem:s26+$0x410]  }
0x5a: {  	v19 =	vld [tilespmem:s26+$0x8410]  }
0x5b: {  	v20 =	vld [tilespmem:s26+$0x8420]  }
0x5c: {  	v21 =	vld [tilespmem:s26+$0x420]  }
0x5d: {  	v22 =	vld [tilespmem:s26+$0x8430];
	v16 =	vmul.f32 v17, v16  }
0x5e: {  	v17 =	vld [tilespmem:s26+$0x430]  }
0x5f: {  	v18 =	vmul.f32 v19, v18;
	v16 =	vadd.f32 $0.0e+00, v16;
	_ =	sdelay $0x1  }
0x60: {  	v19 =	vmul.f32 v20, v21;
	v16 =	vadd.f32 v18, v16;
	_ =	sdelay $0x1  }
0x61: {  	v17 =	vmul.f32 v22, v17;
	v16 =	vadd.f32 v19, v16;
	_ =	sdelay $0x1  }
0x62: {  	v16 =	vadd.f32 v17, v16;
	_ =	sdelay $0x1  }
0x63: {  	[tilespmem:v0+s0+$0x0] =	vst.idx.msk $0xffff, v16  }
0x64: {  	v16 =	vld [tilespmem:s26+$0x440]  }
0x65: {  	v17 =	vld [tilespmem:s26+$0x8440]  }
0x66: {  	v18 =	vld [tilespmem:s26+$0x8450]  }
0x67: {  	v19 =	vld [tilespmem:s26+$0x450]  }
0x68: {  	v59 =	vld [tilespmem:s26+$0x460]  }
0x69: {  	v60 =	vld [tilespmem:s26+$0x8460]  }
0x6a: {  	v61 =	vld [tilespmem:s26+$0x470];
	v16 =	vmul.f32 v17, v16  }
0x6b: {  	v17 =	vld [tilespmem:s26+$0x8470]  }
0x6c: {  	v18 =	vmul.f32 v18, v19;
	v16 =	vadd.f32 $0.0e+00, v16;
	_ =	sdelay $0x1  }
0x6d: {  	v16 =	vadd.f32 v18, v16;
	v18 =	vmul.f32 v60, v59;
	_ =	sdelay $0x1  }
0x6e: {  	v17 =	vmul.f32 v17, v61;
	v16 =	vadd.f32 v18, v16;
	_ =	sdelay $0x1  }
0x6f: {  	v16 =	vadd.f32 v17, v16;
	_ =	sdelay $0x1  }
0x70: {  	[tilespmem:v1+s0+$0x0] =	vst.idx.msk $0xffff, v16  }
0x71: {  	v16 =	vld [tilespmem:s26+$0x8480]  }
0x72: {  	v17 =	vld [tilespmem:s26+$0x480]  }
0x73: {  	v18 =	vld [tilespmem:s26+$0x490]  }
0x74: {  	v19 =	vld [tilespmem:s26+$0x8490]  }
0x75: {  	v62 =	vld [tilespmem:s26+$0x84A0]  }
0x76: {  	v63 =	vld [tilespmem:s26+$0x4A0]  }
0x77: {  	v24 =	vld [tilespmem:s26+$0x84B0];
	v16 =	vmul.f32 v16, v17  }
0x78: {  	v17 =	vld [tilespmem:s26+$0x4B0]  }
0x79: {  	v18 =	vmul.f32 v19, v18;
	v16 =	vadd.f32 $0.0e+00, v16;
	_ =	sdelay $0x1  }
0x7a: {  	v16 =	vadd.f32 v18, v16;
	v18 =	vmul.f32 v62, v63;
	_ =	sdelay $0x1  }
0x7b: {  	v17 =	vmul.f32 v24, v17;
	v16 =	vadd.f32 v18, v16;
	_ =	sdelay $0x1  }
0x7c: {  	v16 =	vadd.f32 v17, v16;
	_ =	sdelay $0x1  }
0x7d: {  	[tilespmem:v2+s0+$0x0] =	vst.idx.msk $0xffff, v16  }
0x7e: {  	v16 =	vld [tilespmem:s26+$0x4C0]  }
0x7f: {  	v17 =	vld [tilespmem:s26+$0x84C0]  }
0x80: {  	v18 =	vld [tilespmem:s26+$0x84D0]  }
0x81: {  	v19 =	vld [tilespmem:s26+$0x4D0]  }
0x82: {  	v25 =	vld [tilespmem:s26+$0x4E0]  }
0x83: {  	v26 =	vld [tilespmem:s26+$0x84E0]  }
0x84: {  	v27 =	vld [tilespmem:s26+$0x84F0];
	v16 =	vmul.f32 v17, v16  }
0x85: {  	v17 =	vld [tilespmem:s26+$0x4F0]  }
0x86: {  	v18 =	vmul.f32 v18, v19;
	v16 =	vadd.f32 $0.0e+00, v16;
	_ =	sdelay $0x1  }
0x87: {  	v16 =	vadd.f32 v18, v16;
	v18 =	vmul.f32 v26, v25;
	_ =	sdelay $0x1  }
0x88: {  	v17 =	vmul.f32 v27, v17;
	v16 =	vadd.f32 v18, v16;
	_ =	sdelay $0x1  }
0x89: {  	v16 =	vadd.f32 v17, v16;
	_ =	sdelay $0x1  }
0x8a: {  	[tilespmem:v3+s0+$0x0] =	vst.idx.msk $0xffff, v16  }
0x8b: {  	v16 =	vld [tilespmem:s26+$0x8500]  }
0x8c: {  	v17 =	vld [tilespmem:s26+$0x500]  }
0x8d: {  	v18 =	vld [tilespmem:s26+$0x8510]  }
0x8e: {  	v19 =	vld [tilespmem:s26+$0x510]  }
0x8f: {  	v28 =	vld [tilespmem:s26+$0x520]  }
0x90: {  	v29 =	vld [tilespmem:s26+$0x8520]  }
0x91: {  	v30 =	vld [tilespmem:s26+$0x530];
	v16 =	vmul.f32 v16, v17  }
0x92: {  	v17 =	vld [tilespmem:s26+$0x8530]  }
0x93: {  	v18 =	vmul.f32 v18, v19;
	v16 =	vadd.f32 $0.0e+00, v16;
	_ =	sdelay $0x1  }
0x94: {  	v16 =	vadd.f32 v18, v16;
	v18 =	vmul.f32 v29, v28;
	_ =	sdelay $0x1  }
0x95: {  	v17 =	vmul.f32 v17, v30;
	v16 =	vadd.f32 v18, v16;
	_ =	sdelay $0x1  }
0x96: {  	v16 =	vadd.f32 v17, v16;
	_ =	sdelay $0x1  }
0x97: {  	[tilespmem:v4+s0+$0x0] =	vst.idx.msk $0xffff, v16  }
0x98: {  	v16 =	vld [tilespmem:s26+$0x8540]  }
0x99: {  	v17 =	vld [tilespmem:s26+$0x540]  }
0x9a: {  	v18 =	vld [tilespmem:s26+$0x8550]  }
0x9b: {  	v19 =	vld [tilespmem:s26+$0x550]  }
0x9c: {  	v31 =	vld [tilespmem:s26+$0x8560]  }
0x9d: {  	v32 =	vld [tilespmem:s26+$0x560]  }
0x9e: {  	v33 =	vld [tilespmem:s26+$0x8570];
	v16 =	vmul.f32 v16, v17  }
0x9f: {  	v17 =	vld [tilespmem:s26+$0x570]  }
0xa0: {  	v18 =	vmul.f32 v18, v19;
	v16 =	vadd.f32 $0.0e+00, v16;
	_ =	sdelay $0x1  }
0xa1: {  	v19 =	vmul.f32 v31, v32;
	v16 =	vadd.f32 v18, v16;
	_ =	sdelay $0x1  }
0xa2: {  	v17 =	vmul.f32 v33, v17;
	v16 =	vadd.f32 v19, v16;
	_ =	sdelay $0x1  }
0xa3: {  	v16 =	vadd.f32 v17, v16;
	_ =	sdelay $0x1  }
0xa4: {  	[tilespmem:v5+s0+$0x0] =	vst.idx.msk $0xffff, v16  }
0xa5: {  	v16 =	vld [tilespmem:s26+$0x580]  }
0xa6: {  	v17 =	vld [tilespmem:s26+$0x8580]  }
0xa7: {  	v18 =	vld [tilespmem:s26+$0x590]  }
0xa8: {  	v19 =	vld [tilespmem:s26+$0x8590]  }
0xa9: {  	v34 =	vld [tilespmem:s26+$0x85A0]  }
0xaa: {  	v35 =	vld [tilespmem:s26+$0x5A0]  }
0xab: {  	v36 =	vld [tilespmem:s26+$0x5B0];
	v16 =	vmul.f32 v17, v16  }
0xac: {  	v17 =	vld [tilespmem:s26+$0x85B0]  }
0xad: {  	v18 =	vmul.f32 v19, v18;
	v16 =	vadd.f32 $0.0e+00, v16;
	_ =	sdelay $0x1  }
0xae: {  	v16 =	vadd.f32 v18, v16;
	v18 =	vmul.f32 v34, v35;
	_ =	sdelay $0x1  }
0xaf: {  	v17 =	vmul.f32 v17, v36;
	v16 =	vadd.f32 v18, v16;
	_ =	sdelay $0x1  }
0xb0: {  	v16 =	vadd.f32 v17, v16;
	_ =	sdelay $0x1  }
0xb1: {  	[tilespmem:v6+s0+$0x0] =	vst.idx.msk $0xffff, v16  }
0xb2: {  	v16 =	vld [tilespmem:s26+$0x5C0]  }
0xb3: {  	v17 =	vld [tilespmem:s26+$0x85C0]  }
0xb4: {  	v18 =	vld [tilespmem:s26+$0x5D0]  }
0xb5: {  	v19 =	vld [tilespmem:s26+$0x85D0]  }
0xb6: {  	v37 =	vld [tilespmem:s26+$0x85E0]  }
0xb7: {  	v38 =	vld [tilespmem:s26+$0x5E0]  }
0xb8: {  	v39 =	vld [tilespmem:s26+$0x5F0];
	v16 =	vmul.f32 v17, v16  }
0xb9: {  	v17 =	vld [tilespmem:s26+$0x85F0]  }
0xba: {  	v18 =	vmul.f32 v19, v18;
	v16 =	vadd.f32 $0.0e+00, v16;
	_ =	sdelay $0x1  }
0xbb: {  	v16 =	vadd.f32 v18, v16;
	v18 =	vmul.f32 v37, v38;
	_ =	sdelay $0x1  }
0xbc: {  	v17 =	vmul.f32 v17, v39;
	v16 =	vadd.f32 v18, v16;
	_ =	sdelay $0x1  }
0xbd: {  	v16 =	vadd.f32 v17, v16;
	_ =	sdelay $0x1  }
0xbe: {  	[tilespmem:v7+s0+$0x0] =	vst.idx.msk $0xffff, v16  }
0xbf: {  	v16 =	vld [tilespmem:s26+$0x600]  }
0xc0: {  	v17 =	vld [tilespmem:s26+$0x8600]  }
0xc1: {  	v18 =	vld [tilespmem:s26+$0x610]  }
0xc2: {  	v19 =	vld [tilespmem:s26+$0x8610]  }
0xc3: {  	v40 =	vld [tilespmem:s26+$0x8620]  }
0xc4: {  	v41 =	vld [tilespmem:s26+$0x620]  }
0xc5: {  	v42 =	vld [tilespmem:s26+$0x630];
	v16 =	vmul.f32 v17, v16  }
0xc6: {  	v17 =	vld [tilespmem:s26+$0x8630]  }
0xc7: {  	v18 =	vmul.f32 v19, v18;
	v16 =	vadd.f32 $0.0e+00, v16;
	_ =	sdelay $0x1  }
0xc8: {  	v16 =	vadd.f32 v18, v16;
	v18 =	vmul.f32 v40, v41;
	_ =	sdelay $0x1  }
0xc9: {  	v17 =	vmul.f32 v17, v42;
	v16 =	vadd.f32 v18, v16;
	_ =	sdelay $0x1  }
0xca: {  	v16 =	vadd.f32 v17, v16;
	_ =	sdelay $0x1  }
0xcb: {  	[tilespmem:v8+s0+$0x0] =	vst.idx.msk $0xffff, v16  }
0xcc: {  	v16 =	vld [tilespmem:s26+$0x640]  }
0xcd: {  	v17 =	vld [tilespmem:s26+$0x8640]  }
0xce: {  	v18 =	vld [tilespmem:s26+$0x650]  }
0xcf: {  	v19 =	vld [tilespmem:s26+$0x8650]  }
0xd0: {  	v43 =	vld [tilespmem:s26+$0x660]  }
0xd1: {  	v44 =	vld [tilespmem:s26+$0x8660]  }
0xd2: {  	v45 =	vld [tilespmem:s26+$0x8670];
	v16 =	vmul.f32 v17, v16  }
0xd3: {  	v17 =	vld [tilespmem:s26+$0x670]  }
0xd4: {  	v18 =	vmul.f32 v19, v18;
	v16 =	vadd.f32 $0.0e+00, v16;
	_ =	sdelay $0x1  }
0xd5: {  	v16 =	vadd.f32 v18, v16;
	v18 =	vmul.f32 v44, v43;
	_ =	sdelay $0x1  }
0xd6: {  	v17 =	vmul.f32 v45, v17;
	v16 =	vadd.f32 v18, v16;
	_ =	sdelay $0x1  }
0xd7: {  	v16 =	vadd.f32 v17, v16;
	_ =	sdelay $0x1  }
0xd8: {  	[tilespmem:v9+s0+$0x0] =	vst.idx.msk $0xffff, v16  }
0xd9: {  	v16 =	vld [tilespmem:s26+$0x680]  }
0xda: {  	v17 =	vld [tilespmem:s26+$0x8680]  }
0xdb: {  	v18 =	vld [tilespmem:s26+$0x690]  }
0xdc: {  	v19 =	vld [tilespmem:s26+$0x8690]  }
0xdd: {  	v46 =	vld [tilespmem:s26+$0x6A0]  }
0xde: {  	v47 =	vld [tilespmem:s26+$0x86A0]  }
0xdf: {  	v48 =	vld [tilespmem:s26+$0x86B0];
	v16 =	vmul.f32 v17, v16  }
0xe0: {  	v17 =	vld [tilespmem:s26+$0x6B0]  }
0xe1: {  	v18 =	vmul.f32 v19, v18;
	v16 =	vadd.f32 $0.0e+00, v16;
	_ =	sdelay $0x1  }
0xe2: {  	v16 =	vadd.f32 v18, v16;
	v18 =	vmul.f32 v47, v46;
	_ =	sdelay $0x1  }
0xe3: {  	v17 =	vmul.f32 v48, v17;
	v16 =	vadd.f32 v18, v16;
	_ =	sdelay $0x1  }
0xe4: {  	v16 =	vadd.f32 v17, v16;
	_ =	sdelay $0x1  }
0xe5: {  	[tilespmem:v10+s0+$0x0] =	vst.idx.msk $0xffff, v16  }
0xe6: {  	v16 =	vld [tilespmem:s26+$0x6C0]  }
0xe7: {  	v17 =	vld [tilespmem:s26+$0x86C0]  }
0xe8: {  	v18 =	vld [tilespmem:s26+$0x86D0]  }
0xe9: {  	v19 =	vld [tilespmem:s26+$0x6D0]  }
0xea: {  	v49 =	vld [tilespmem:s26+$0x6E0]  }
0xeb: {  	v50 =	vld [tilespmem:s26+$0x86E0]  }
0xec: {  	v51 =	vld [tilespmem:s26+$0x86F0];
	v16 =	vmul.f32 v17, v16  }
0xed: {  	v17 =	vld [tilespmem:s26+$0x6F0]  }
0xee: {  	v18 =	vmul.f32 v18, v19;
	v16 =	vadd.f32 $0.0e+00, v16;
	_ =	sdelay $0x1  }
0xef: {  	v16 =	vadd.f32 v18, v16;
	v18 =	vmul.f32 v50, v49;
	_ =	sdelay $0x1  }
0xf0: {  	v17 =	vmul.f32 v51, v17;
	v16 =	vadd.f32 v18, v16;
	_ =	sdelay $0x1  }
0xf1: {  	v16 =	vadd.f32 v17, v16;
	_ =	sdelay $0x1  }
0xf2: {  	[tilespmem:v11+s0+$0x0] =	vst.idx.msk $0xffff, v16  }
0xf3: {  	v16 =	vld [tilespmem:s26+$0x700]  }
0xf4: {  	v17 =	vld [tilespmem:s26+$0x8700]  }
0xf5: {  	v18 =	vld [tilespmem:s26+$0x710]  }
0xf6: {  	v19 =	vld [tilespmem:s26+$0x8710]  }
0xf7: {  	v52 =	vld [tilespmem:s26+$0x720]  }
0xf8: {  	v53 =	vld [tilespmem:s26+$0x8720]  }
0xf9: {  	v54 =	vld [tilespmem:s26+$0x8730];
	v16 =	vmul.f32 v17, v16  }
0xfa: {  	v17 =	vld [tilespmem:s26+$0x730]  }
0xfb: {  	v18 =	vmul.f32 v19, v18;
	v16 =	vadd.f32 $0.0e+00, v16;
	_ =	sdelay $0x1  }
0xfc: {  	v16 =	vadd.f32 v18, v16;
	v18 =	vmul.f32 v53, v52;
	_ =	sdelay $0x1  }
0xfd: {  	v17 =	vmul.f32 v54, v17;
	v16 =	vadd.f32 v18, v16;
	_ =	sdelay $0x1  }
0xfe: {  	v16 =	vadd.f32 v17, v16;
	_ =	sdelay $0x1  }
0xff: {  	[tilespmem:v12+s0+$0x0] =	vst.idx.msk $0xffff, v16  }
0x100: {  	v16 =	vld [tilespmem:s26+$0x740]  }
0x101: {  	v17 =	vld [tilespmem:s26+$0x8740]  }
0x102: {  	v18 =	vld [tilespmem:s26+$0x8750]  }
0x103: {  	v19 =	vld [tilespmem:s26+$0x750]  }
0x104: {  	v55 =	vld [tilespmem:s26+$0x760]  }
0x105: {  	v56 =	vld [tilespmem:s26+$0x8760]  }
0x106: {  	v57 =	vld [tilespmem:s26+$0x8770];
	v16 =	vmul.f32 v17, v16  }
0x107: {  	v17 =	vld [tilespmem:s26+$0x770]  }
0x108: {  	v18 =	vmul.f32 v18, v19;
	v16 =	vadd.f32 $0.0e+00, v16;
	_ =	sdelay $0x1  }
0x109: {  	v16 =	vadd.f32 v18, v16;
	v18 =	vmul.f32 v56, v55;
	_ =	sdelay $0x1  }
0x10a: {  	v17 =	vmul.f32 v57, v17;
	v16 =	vadd.f32 v18, v16;
	_ =	sdelay $0x1  }
0x10b: {  	v16 =	vadd.f32 v17, v16;
	_ =	sdelay $0x1  }
0x10c: {  	[tilespmem:v13+s0+$0x0] =	vst.idx.msk $0xffff, v16  }
0x10d: {  	v16 =	vld [tilespmem:s26+$0x780]  }
0x10e: {  	v17 =	vld [tilespmem:s26+$0x8780]  }
0x10f: {  	v18 =	vld [tilespmem:s26+$0x790]  }
0x110: {  	v19 =	vld [tilespmem:s26+$0x8790]  }
0x111: {  	v58 =	vld [tilespmem:s26+$0x7A0]  }
0x112: {  	v59 =	vld [tilespmem:s26+$0x87A0]  }
0x113: {  	v60 =	vld [tilespmem:s26+$0x87B0];
	v16 =	vmul.f32 v17, v16  }
0x114: {  	v17 =	vld [tilespmem:s26+$0x7B0]  }
0x115: {  	v18 =	vmul.f32 v19, v18;
	v16 =	vadd.f32 $0.0e+00, v16;
	_ =	sdelay $0x1  }
0x116: {  	v16 =	vadd.f32 v18, v16;
	v18 =	vmul.f32 v59, v58;
	_ =	sdelay $0x1  }
0x117: {  	v17 =	vmul.f32 v60, v17;
	v16 =	vadd.f32 v18, v16;
	_ =	sdelay $0x1  }
0x118: {  	v16 =	vadd.f32 v17, v16;
	_ =	sdelay $0x1  }
0x119: {  	[tilespmem:v14+s0+$0x0] =	vst.idx.msk $0xffff, v16  }
0x11a: {  	v16 =	vld [tilespmem:s26+$0x7C0]  }
0x11b: {  	v17 =	vld [tilespmem:s26+$0x87C0]  }
0x11c: {  	v18 =	vld [tilespmem:s26+$0x7D0]  }
0x11d: {  	v19 =	vld [tilespmem:s26+$0x87D0]  }
0x11e: {  	v61 =	vld [tilespmem:s26+$0x7E0]  }
0x11f: {  	v62 =	vld [tilespmem:s26+$0x87E0]  }
0x120: {  	v63 =	vld [tilespmem:s26+$0x87F0];
	v16 =	vmul.f32 v17, v16  }
0x121: {  	v17 =	vld [tilespmem:s26+$0x7F0]  }
0x122: {  	v18 =	vmul.f32 v19, v18;
	v16 =	vadd.f32 $0.0e+00, v16;
	_ =	sdelay $0x1  }
0x123: {  	v16 =	vadd.f32 v18, v16;
	v18 =	vmul.f32 v62, v61;
	_ =	sdelay $0x1  }
0x124: {  	v17 =	vmul.f32 v63, v17;
	v16 =	vadd.f32 v18, v16;
	_ =	sdelay $0x1  }
0x125: {  	v16 =	vadd.f32 v17, v16;
	_ =	sdelay $0x1  }
0x126: {  	[tilespmem:v15+s0+$0x0] =	vst.idx.msk $0xffff, v16  }
0x127: {  	v16 =	vld [tilespmem:$0x10400];
	_ =	sdelay $0x1  }
0x128: {  	v17 =	vld [tilespmem:$0x10410];
	_ =	sdelay $0x1  }
0x129: {  	v18 =	vld [tilespmem:$0x10420]  }
0x12a: {  	v16 =	vadd.f32 $0.0e+00, v16  }
0x12b: {  	v19 =	vld [tilespmem:$0x10430]  }
0x12c: {  	v16 =	vadd.f32 v17, v16  }
0x12d: {  	v17 =	vld [tilespmem:$0x10440]  }
0x12e: {  	v16 =	vadd.f32 v18, v16  }
0x12f: {  	v18 =	vld [tilespmem:$0x10450]  }
0x130: {  	v16 =	vadd.f32 v19, v16  }
0x131: {  	v19 =	vld [tilespmem:$0x10460]  }
0x132: {  	v16 =	vadd.f32 v17, v16  }
0x133: {  	v17 =	vld [tilespmem:$0x10470]  }
0x134: {  	v16 =	vadd.f32 v18, v16  }
0x135: {  	v18 =	vld [tilespmem:$0x10480]  }
0x136: {  	v16 =	vadd.f32 v19, v16  }
0x137: {  	v19 =	vld [tilespmem:$0x10490]  }
0x138: {  	v16 =	vadd.f32 v17, v16  }
0x139: {  	v17 =	vld [tilespmem:$0x104A0]  }
0x13a: {  	v16 =	vadd.f32 v18, v16  }
0x13b: {  	v18 =	vld [tilespmem:$0x104B0]  }
0x13c: {  	v16 =	vadd.f32 v19, v16  }
0x13d: {  	v19 =	vld [tilespmem:$0x104C0]  }
0x13e: {  	v16 =	vadd.f32 v17, v16  }
0x13f: {  	v17 =	vld [tilespmem:$0x104D0]  }
0x140: {  	v16 =	vadd.f32 v18, v16  }
0x141: {  	v18 =	vld [tilespmem:$0x104E0]  }
0x142: {  	v16 =	vadd.f32 v19, v16  }
0x143: {  	v19 =	vld [tilespmem:$0x104F0]  }
0x144: {  	v16 =	vadd.f32 v17, v16;
	_ =	sdelay $0x1  }
0x145: {  	v16 =	vadd.f32 v18, v16;
	_ =	sdelay $0x1  }
0x146: {  	v16 =	vadd.f32 v19, v16;
	_ =	sdelay $0x1  }
0x147: {  	v16 =	vsub.f32 $0.0e+00, v16;
	_ =	sdelay $0x1  }
0x148: {  	s23 =	simm.s32 $0x10500;
	s24 =	simm.s32 $0x1000;
	s25 =	simm.s32 $0x10500;
	v16 =	vmul.f32 $1.442695020e+00, v16  }
.LBB2_2:
0x149: {  	p0 =	sne.s32 s24, $0x1F000  }
0x14a: {  	s25 =	sadd.s32 $0x10, s25;
	s26 =	smov.u32 s24;
	s24 =	sadd.s32 $0x1000, s24;
	(erf) = vpow2.f32 v16  }
0x14b: {  	_ =	sdelay $0x7  }
0x14c: {  	v16 =	vpop (erf)  }
0x14d: {  	v16 =	vadd.f32 $1.000000000e+00, v16;
	_ =	sdelay $0x1  }
0x14e: {  	(erf) = vrcp.f32 v16;
	_ =	sdelay $0x8  }
0x14f: {  	s26 =	sshra.s32 s26, $0x2;
	v16 =	vpop (erf)  }
0x150: {  	[tilespmem:s23+$0x0] =	vst v16;
	s23 =	smov.u32 s25  }
0x151: {  	v16 =	vld [tilespmem:s26+$0x410]  }
0x152: {  	v17 =	vld [tilespmem:s26+$0x8410]  }
0x153: {  	v18 =	vld [tilespmem:s26+$0x400]  }
0x154: {  	v19 =	vld [tilespmem:s26+$0x8400];
	_ =	sdelay $0x1  }
0x155: {  	v20 =	vld [tilespmem:s26+$0x8420]  }
0x156: {  	v16 =	vmul.f32 v17, v16;
	v17 =	vld [tilespmem:s26+$0x420]  }
0x157: {  	v21 =	vld [tilespmem:s26+$0x8430]  }
0x158: {  	v18 =	vmul.f32 v19, v18;
	v19 =	vld [tilespmem:s26+$0x430];
	_ =	sdelay $0x1  }
0x159: {  	v18 =	vadd.f32 $0.0e+00, v18  }
0x15a: {  	v17 =	vmul.f32 v20, v17  }
0x15b: {  	v16 =	vadd.f32 v16, v18  }
0x15c: {  	v18 =	vmul.f32 v21, v19  }
0x15d: {  	v16 =	vadd.f32 v17, v16;
	_ =	sdelay $0x1  }
0x15e: {  	v16 =	vadd.f32 v18, v16;
	_ =	sdelay $0x1  }
0x15f: {  	[tilespmem:v0+s0+$0x0] =	vst.idx.msk $0xffff, v16  }
0x160: {  	v16 =	vld [tilespmem:s26+$0x440]  }
0x161: {  	v17 =	vld [tilespmem:s26+$0x8440]  }
0x162: {  	v18 =	vld [tilespmem:s26+$0x8450]  }
0x163: {  	v19 =	vld [tilespmem:s26+$0x450]  }
0x164: {  	v20 =	vld [tilespmem:s26+$0x460]  }
0x165: {  	v21 =	vld [tilespmem:s26+$0x8460]  }
0x166: {  	v16 =	vmul.f32 v17, v16;
	v17 =	vld [tilespmem:s26+$0x8470]  }
0x167: {  	v22 =	vld [tilespmem:s26+$0x470]  }
0x168: {  	v16 =	vadd.f32 $0.0e+00, v16;
	v18 =	vmul.f32 v18, v19;
	_ =	sdelay $0x1  }
0x169: {  	v16 =	vadd.f32 v18, v16;
	v18 =	vmul.f32 v21, v20;
	_ =	sdelay $0x1  }
0x16a: {  	v16 =	vadd.f32 v18, v16;
	v17 =	vmul.f32 v17, v22;
	_ =	sdelay $0x1  }
0x16b: {  	v16 =	vadd.f32 v17, v16;
	_ =	sdelay $0x1  }
0x16c: {  	[tilespmem:v1+s0+$0x0] =	vst.idx.msk $0xffff, v16  }
0x16d: {  	v16 =	vld [tilespmem:s26+$0x8480]  }
0x16e: {  	v17 =	vld [tilespmem:s26+$0x480]  }
0x16f: {  	v18 =	vld [tilespmem:s26+$0x490]  }
0x170: {  	v19 =	vld [tilespmem:s26+$0x8490]  }
0x171: {  	v20 =	vld [tilespmem:s26+$0x84A0]  }
0x172: {  	v21 =	vld [tilespmem:s26+$0x4A0]  }
0x173: {  	v16 =	vmul.f32 v16, v17;
	v17 =	vld [tilespmem:s26+$0x4B0]  }
0x174: {  	v22 =	vld [tilespmem:s26+$0x84B0]  }
0x175: {  	v16 =	vadd.f32 $0.0e+00, v16;
	v18 =	vmul.f32 v19, v18;
	_ =	sdelay $0x1  }
0x176: {  	v16 =	vadd.f32 v18, v16;
	v18 =	vmul.f32 v20, v21;
	_ =	sdelay $0x1  }
0x177: {  	v16 =	vadd.f32 v18, v16;
	v17 =	vmul.f32 v22, v17;
	_ =	sdelay $0x1  }
0x178: {  	v16 =	vadd.f32 v17, v16;
	_ =	sdelay $0x1  }
0x179: {  	[tilespmem:v2+s0+$0x0] =	vst.idx.msk $0xffff, v16  }
0x17a: {  	v16 =	vld [tilespmem:s26+$0x4C0]  }
0x17b: {  	v17 =	vld [tilespmem:s26+$0x84C0]  }
0x17c: {  	v18 =	vld [tilespmem:s26+$0x84D0]  }
0x17d: {  	v19 =	vld [tilespmem:s26+$0x4D0]  }
0x17e: {  	v20 =	vld [tilespmem:s26+$0x4E0]  }
0x17f: {  	v21 =	vld [tilespmem:s26+$0x84E0]  }
0x180: {  	v16 =	vmul.f32 v17, v16;
	v17 =	vld [tilespmem:s26+$0x4F0]  }
0x181: {  	v22 =	vld [tilespmem:s26+$0x84F0]  }
0x182: {  	v16 =	vadd.f32 $0.0e+00, v16;
	v18 =	vmul.f32 v18, v19;
	_ =	sdelay $0x1  }
0x183: {  	v16 =	vadd.f32 v18, v16;
	v18 =	vmul.f32 v21, v20;
	_ =	sdelay $0x1  }
0x184: {  	v16 =	vadd.f32 v18, v16;
	v17 =	vmul.f32 v22, v17;
	_ =	sdelay $0x1  }
0x185: {  	v16 =	vadd.f32 v17, v16;
	_ =	sdelay $0x1  }
0x186: {  	[tilespmem:v3+s0+$0x0] =	vst.idx.msk $0xffff, v16  }
0x187: {  	v16 =	vld [tilespmem:s26+$0x8500]  }
0x188: {  	v17 =	vld [tilespmem:s26+$0x500]  }
0x189: {  	v18 =	vld [tilespmem:s26+$0x8510]  }
0x18a: {  	v19 =	vld [tilespmem:s26+$0x510]  }
0x18b: {  	v20 =	vld [tilespmem:s26+$0x520]  }
0x18c: {  	v21 =	vld [tilespmem:s26+$0x8520]  }
0x18d: {  	v16 =	vmul.f32 v16, v17;
	v17 =	vld [tilespmem:s26+$0x8530]  }
0x18e: {  	v22 =	vld [tilespmem:s26+$0x530]  }
0x18f: {  	v16 =	vadd.f32 $0.0e+00, v16;
	v18 =	vmul.f32 v18, v19;
	_ =	sdelay $0x1  }
0x190: {  	v16 =	vadd.f32 v18, v16;
	v18 =	vmul.f32 v21, v20;
	_ =	sdelay $0x1  }
0x191: {  	v16 =	vadd.f32 v18, v16;
	v17 =	vmul.f32 v17, v22;
	_ =	sdelay $0x1  }
0x192: {  	v16 =	vadd.f32 v17, v16;
	_ =	sdelay $0x1  }
0x193: {  	[tilespmem:v4+s0+$0x0] =	vst.idx.msk $0xffff, v16  }
0x194: {  	v16 =	vld [tilespmem:s26+$0x8560]  }
0x195: {  	v17 =	vld [tilespmem:s26+$0x8550]  }
0x196: {  	v18 =	vld [tilespmem:s26+$0x550]  }
0x197: {  	v19 =	vld [tilespmem:s26+$0x8540]  }
0x198: {  	v20 =	vld [tilespmem:s26+$0x540]  }
0x199: {  	v21 =	vld [tilespmem:s26+$0x560]  }
0x19a: {  	v22 =	vld [tilespmem:s26+$0x8570]  }
0x19b: {  	v23 =	vld [tilespmem:s26+$0x570]  }
0x19c: {  	v17 =	vmul.f32 v17, v18  }
0x19d: {  	v18 =	vmul.f32 v19, v20  }
0x19e: {  	v16 =	vmul.f32 v16, v21  }
0x19f: {  	v18 =	vadd.f32 $0.0e+00, v18  }
0x1a0: {  	v19 =	vmul.f32 v22, v23  }
0x1a1: {  	v17 =	vadd.f32 v17, v18;
	_ =	sdelay $0x1  }
0x1a2: {  	v16 =	vadd.f32 v16, v17;
	_ =	sdelay $0x1  }
0x1a3: {  	v16 =	vadd.f32 v19, v16;
	_ =	sdelay $0x1  }
0x1a4: {  	[tilespmem:v5+s0+$0x0] =	vst.idx.msk $0xffff, v16  }
0x1a5: {  	v16 =	vld [tilespmem:s26+$0x580]  }
0x1a6: {  	v17 =	vld [tilespmem:s26+$0x8580]  }
0x1a7: {  	v18 =	vld [tilespmem:s26+$0x590]  }
0x1a8: {  	v19 =	vld [tilespmem:s26+$0x8590]  }
0x1a9: {  	v20 =	vld [tilespmem:s26+$0x85A0]  }
0x1aa: {  	v21 =	vld [tilespmem:s26+$0x5A0]  }
0x1ab: {  	v16 =	vmul.f32 v17, v16;
	v17 =	vld [tilespmem:s26+$0x85B0]  }
0x1ac: {  	v22 =	vld [tilespmem:s26+$0x5B0]  }
0x1ad: {  	v16 =	vadd.f32 $0.0e+00, v16;
	v18 =	vmul.f32 v19, v18;
	_ =	sdelay $0x1  }
0x1ae: {  	v16 =	vadd.f32 v18, v16;
	v18 =	vmul.f32 v20, v21;
	_ =	sdelay $0x1  }
0x1af: {  	v16 =	vadd.f32 v18, v16;
	v17 =	vmul.f32 v17, v22;
	_ =	sdelay $0x1  }
0x1b0: {  	v16 =	vadd.f32 v17, v16;
	_ =	sdelay $0x1  }
0x1b1: {  	[tilespmem:v6+s0+$0x0] =	vst.idx.msk $0xffff, v16  }
0x1b2: {  	v16 =	vld [tilespmem:s26+$0x5C0]  }
0x1b3: {  	v17 =	vld [tilespmem:s26+$0x85C0]  }
0x1b4: {  	v18 =	vld [tilespmem:s26+$0x5D0]  }
0x1b5: {  	v19 =	vld [tilespmem:s26+$0x85D0]  }
0x1b6: {  	v20 =	vld [tilespmem:s26+$0x85E0]  }
0x1b7: {  	v21 =	vld [tilespmem:s26+$0x5E0]  }
0x1b8: {  	v16 =	vmul.f32 v17, v16;
	v17 =	vld [tilespmem:s26+$0x85F0]  }
0x1b9: {  	v22 =	vld [tilespmem:s26+$0x5F0]  }
0x1ba: {  	v16 =	vadd.f32 $0.0e+00, v16;
	v18 =	vmul.f32 v19, v18;
	_ =	sdelay $0x1  }
0x1bb: {  	v16 =	vadd.f32 v18, v16;
	v18 =	vmul.f32 v20, v21;
	_ =	sdelay $0x1  }
0x1bc: {  	v16 =	vadd.f32 v18, v16;
	v17 =	vmul.f32 v17, v22;
	_ =	sdelay $0x1  }
0x1bd: {  	v16 =	vadd.f32 v17, v16;
	_ =	sdelay $0x1  }
0x1be: {  	[tilespmem:v7+s0+$0x0] =	vst.idx.msk $0xffff, v16  }
0x1bf: {  	v16 =	vld [tilespmem:s26+$0x600]  }
0x1c0: {  	v17 =	vld [tilespmem:s26+$0x8600]  }
0x1c1: {  	v18 =	vld [tilespmem:s26+$0x610]  }
0x1c2: {  	v19 =	vld [tilespmem:s26+$0x8610]  }
0x1c3: {  	v20 =	vld [tilespmem:s26+$0x8620]  }
0x1c4: {  	v21 =	vld [tilespmem:s26+$0x620]  }
0x1c5: {  	v16 =	vmul.f32 v17, v16;
	v17 =	vld [tilespmem:s26+$0x8630]  }
0x1c6: {  	v22 =	vld [tilespmem:s26+$0x630]  }
0x1c7: {  	v16 =	vadd.f32 $0.0e+00, v16;
	v18 =	vmul.f32 v19, v18;
	_ =	sdelay $0x1  }
0x1c8: {  	v16 =	vadd.f32 v18, v16;
	v18 =	vmul.f32 v20, v21;
	_ =	sdelay $0x1  }
0x1c9: {  	v16 =	vadd.f32 v18, v16;
	v17 =	vmul.f32 v17, v22;
	_ =	sdelay $0x1  }
0x1ca: {  	v16 =	vadd.f32 v17, v16;
	_ =	sdelay $0x1  }
0x1cb: {  	[tilespmem:v8+s0+$0x0] =	vst.idx.msk $0xffff, v16  }
0x1cc: {  	v16 =	vld [tilespmem:s26+$0x640]  }
0x1cd: {  	v17 =	vld [tilespmem:s26+$0x8640]  }
0x1ce: {  	v18 =	vld [tilespmem:s26+$0x650]  }
0x1cf: {  	v19 =	vld [tilespmem:s26+$0x8650]  }
0x1d0: {  	v20 =	vld [tilespmem:s26+$0x660]  }
0x1d1: {  	v21 =	vld [tilespmem:s26+$0x8660]  }
0x1d2: {  	v16 =	vmul.f32 v17, v16;
	v17 =	vld [tilespmem:s26+$0x670]  }
0x1d3: {  	v22 =	vld [tilespmem:s26+$0x8670]  }
0x1d4: {  	v16 =	vadd.f32 $0.0e+00, v16;
	v18 =	vmul.f32 v19, v18;
	_ =	sdelay $0x1  }
0x1d5: {  	v16 =	vadd.f32 v18, v16;
	v18 =	vmul.f32 v21, v20;
	_ =	sdelay $0x1  }
0x1d6: {  	v16 =	vadd.f32 v18, v16;
	v17 =	vmul.f32 v22, v17;
	_ =	sdelay $0x1  }
0x1d7: {  	v16 =	vadd.f32 v17, v16;
	_ =	sdelay $0x1  }
0x1d8: {  	[tilespmem:v9+s0+$0x0] =	vst.idx.msk $0xffff, v16  }
0x1d9: {  	v16 =	vld [tilespmem:s26+$0x680]  }
0x1da: {  	v17 =	vld [tilespmem:s26+$0x8680]  }
0x1db: {  	v18 =	vld [tilespmem:s26+$0x690]  }
0x1dc: {  	v19 =	vld [tilespmem:s26+$0x8690]  }
0x1dd: {  	v20 =	vld [tilespmem:s26+$0x6A0]  }
0x1de: {  	v21 =	vld [tilespmem:s26+$0x86A0]  }
0x1df: {  	v16 =	vmul.f32 v17, v16;
	v17 =	vld [tilespmem:s26+$0x6B0]  }
0x1e0: {  	v22 =	vld [tilespmem:s26+$0x86B0]  }
0x1e1: {  	v16 =	vadd.f32 $0.0e+00, v16;
	v18 =	vmul.f32 v19, v18;
	_ =	sdelay $0x1  }
0x1e2: {  	v16 =	vadd.f32 v18, v16;
	v18 =	vmul.f32 v21, v20;
	_ =	sdelay $0x1  }
0x1e3: {  	v16 =	vadd.f32 v18, v16;
	v17 =	vmul.f32 v22, v17;
	_ =	sdelay $0x1  }
0x1e4: {  	v16 =	vadd.f32 v17, v16;
	_ =	sdelay $0x1  }
0x1e5: {  	[tilespmem:v10+s0+$0x0] =	vst.idx.msk $0xffff, v16  }
0x1e6: {  	v16 =	vld [tilespmem:s26+$0x6C0]  }
0x1e7: {  	v17 =	vld [tilespmem:s26+$0x86C0]  }
0x1e8: {  	v18 =	vld [tilespmem:s26+$0x86D0]  }
0x1e9: {  	v19 =	vld [tilespmem:s26+$0x6D0]  }
0x1ea: {  	v20 =	vld [tilespmem:s26+$0x6E0]  }
0x1eb: {  	v21 =	vld [tilespmem:s26+$0x86E0]  }
0x1ec: {  	v16 =	vmul.f32 v17, v16;
	v17 =	vld [tilespmem:s26+$0x6F0]  }
0x1ed: {  	v22 =	vld [tilespmem:s26+$0x86F0]  }
0x1ee: {  	v16 =	vadd.f32 $0.0e+00, v16;
	v18 =	vmul.f32 v18, v19;
	_ =	sdelay $0x1  }
0x1ef: {  	v16 =	vadd.f32 v18, v16;
	v18 =	vmul.f32 v21, v20;
	_ =	sdelay $0x1  }
0x1f0: {  	v16 =	vadd.f32 v18, v16;
	v17 =	vmul.f32 v22, v17;
	_ =	sdelay $0x1  }
0x1f1: {  	v16 =	vadd.f32 v17, v16;
	_ =	sdelay $0x1  }
0x1f2: {  	[tilespmem:v11+s0+$0x0] =	vst.idx.msk $0xffff, v16  }
0x1f3: {  	v16 =	vld [tilespmem:s26+$0x700]  }
0x1f4: {  	v17 =	vld [tilespmem:s26+$0x8700]  }
0x1f5: {  	v18 =	vld [tilespmem:s26+$0x710]  }
0x1f6: {  	v19 =	vld [tilespmem:s26+$0x8710]  }
0x1f7: {  	v20 =	vld [tilespmem:s26+$0x720]  }
0x1f8: {  	v21 =	vld [tilespmem:s26+$0x8720]  }
0x1f9: {  	v16 =	vmul.f32 v17, v16;
	v17 =	vld [tilespmem:s26+$0x730]  }
0x1fa: {  	v22 =	vld [tilespmem:s26+$0x8730]  }
0x1fb: {  	v16 =	vadd.f32 $0.0e+00, v16;
	v18 =	vmul.f32 v19, v18;
	_ =	sdelay $0x1  }
0x1fc: {  	v16 =	vadd.f32 v18, v16;
	v18 =	vmul.f32 v21, v20;
	_ =	sdelay $0x1  }
0x1fd: {  	v16 =	vadd.f32 v18, v16;
	v17 =	vmul.f32 v22, v17;
	_ =	sdelay $0x1  }
0x1fe: {  	v16 =	vadd.f32 v17, v16;
	_ =	sdelay $0x1  }
0x1ff: {  	[tilespmem:v12+s0+$0x0] =	vst.idx.msk $0xffff, v16  }
0x200: {  	v16 =	vld [tilespmem:s26+$0x740]  }
0x201: {  	v17 =	vld [tilespmem:s26+$0x8740]  }
0x202: {  	v18 =	vld [tilespmem:s26+$0x8750]  }
0x203: {  	v19 =	vld [tilespmem:s26+$0x750]  }
0x204: {  	v20 =	vld [tilespmem:s26+$0x760]  }
0x205: {  	v21 =	vld [tilespmem:s26+$0x8760]  }
0x206: {  	v16 =	vmul.f32 v17, v16;
	v17 =	vld [tilespmem:s26+$0x770]  }
0x207: {  	v22 =	vld [tilespmem:s26+$0x8770]  }
0x208: {  	v16 =	vadd.f32 $0.0e+00, v16;
	v18 =	vmul.f32 v18, v19;
	_ =	sdelay $0x1  }
0x209: {  	v16 =	vadd.f32 v18, v16;
	v18 =	vmul.f32 v21, v20;
	_ =	sdelay $0x1  }
0x20a: {  	v16 =	vadd.f32 v18, v16;
	v17 =	vmul.f32 v22, v17;
	_ =	sdelay $0x1  }
0x20b: {  	v16 =	vadd.f32 v17, v16;
	_ =	sdelay $0x1  }
0x20c: {  	[tilespmem:v13+s0+$0x0] =	vst.idx.msk $0xffff, v16  }
0x20d: {  	v16 =	vld [tilespmem:s26+$0x780]  }
0x20e: {  	v17 =	vld [tilespmem:s26+$0x8780]  }
0x20f: {  	v18 =	vld [tilespmem:s26+$0x790]  }
0x210: {  	v19 =	vld [tilespmem:s26+$0x8790]  }
0x211: {  	v20 =	vld [tilespmem:s26+$0x7A0]  }
0x212: {  	v21 =	vld [tilespmem:s26+$0x87A0]  }
0x213: {  	v16 =	vmul.f32 v17, v16;
	v17 =	vld [tilespmem:s26+$0x7B0]  }
0x214: {  	v22 =	vld [tilespmem:s26+$0x87B0]  }
0x215: {  	v16 =	vadd.f32 $0.0e+00, v16;
	v18 =	vmul.f32 v19, v18;
	_ =	sdelay $0x1  }
0x216: {  	v16 =	vadd.f32 v18, v16;
	v18 =	vmul.f32 v21, v20;
	_ =	sdelay $0x1  }
0x217: {  	v16 =	vadd.f32 v18, v16;
	v17 =	vmul.f32 v22, v17;
	_ =	sdelay $0x1  }
0x218: {  	v16 =	vadd.f32 v17, v16;
	_ =	sdelay $0x1  }
0x219: {  	[tilespmem:v14+s0+$0x0] =	vst.idx.msk $0xffff, v16  }
0x21a: {  	v16 =	vld [tilespmem:s26+$0x7C0]  }
0x21b: {  	v17 =	vld [tilespmem:s26+$0x87C0]  }
0x21c: {  	v18 =	vld [tilespmem:s26+$0x7D0]  }
0x21d: {  	v19 =	vld [tilespmem:s26+$0x87D0]  }
0x21e: {  	v20 =	vld [tilespmem:s26+$0x7E0]  }
0x21f: {  	v21 =	vld [tilespmem:s26+$0x87E0]  }
0x220: {  	v16 =	vmul.f32 v17, v16;
	v17 =	vld [tilespmem:s26+$0x7F0]  }
0x221: {  	v22 =	vld [tilespmem:s26+$0x87F0]  }
0x222: {  	v16 =	vadd.f32 $0.0e+00, v16;
	v18 =	vmul.f32 v19, v18;
	_ =	sdelay $0x1  }
0x223: {  	v16 =	vadd.f32 v18, v16;
	v18 =	vmul.f32 v21, v20;
	_ =	sdelay $0x1  }
0x224: {  	v16 =	vadd.f32 v18, v16;
	v17 =	vmul.f32 v22, v17;
	_ =	sdelay $0x1  }
0x225: {  	v16 =	vadd.f32 v17, v16;
	_ =	sdelay $0x1  }
0x226: {  	[tilespmem:v15+s0+$0x0] =	vst.idx.msk $0xffff, v16  }
0x227: {  	v16 =	vld [tilespmem:$0x10400]  }
0x228: {  	v17 =	vld [tilespmem:$0x10410]  }
0x229: {  	v18 =	vld [tilespmem:$0x10420]  }
0x22a: {  	v19 =	vld [tilespmem:$0x10430]  }
0x22b: {  	v20 =	vld [tilespmem:$0x10440]  }
0x22c: {  	v16 =	vadd.f32 $0.0e+00, v16;
	v21 =	vld [tilespmem:$0x10450]  }
0x22d: {  	v22 =	vld [tilespmem:$0x10460]  }
0x22e: {  	v16 =	vadd.f32 v17, v16;
	v17 =	vld [tilespmem:$0x10470]  }
0x22f: {  	v23 =	vld [tilespmem:$0x10480]  }
0x230: {  	v16 =	vadd.f32 v18, v16;
	v18 =	vld [tilespmem:$0x10490]  }
0x231: {  	v24 =	vld [tilespmem:$0x104A0]  }
0x232: {  	v16 =	vadd.f32 v19, v16;
	v19 =	vld [tilespmem:$0x104B0]  }
0x233: {  	v25 =	vld [tilespmem:$0x104C0]  }
0x234: {  	v16 =	vadd.f32 v20, v16;
	v20 =	vld [tilespmem:$0x104D0]  }
0x235: {  	v26 =	vld [tilespmem:$0x104E0]  }
0x236: {  	v16 =	vadd.f32 v21, v16;
	v21 =	vld [tilespmem:$0x104F0];
	_ =	sdelay $0x1  }
0x237: {  	v16 =	vadd.f32 v22, v16;
	_ =	sdelay $0x1  }
0x238: {  	v16 =	vadd.f32 v17, v16;
	_ =	sdelay $0x1  }
0x239: {  	v16 =	vadd.f32 v23, v16;
	_ =	sdelay $0x1  }
0x23a: {  	v16 =	vadd.f32 v18, v16;
	_ =	sdelay $0x1  }
0x23b: {  	v16 =	vadd.f32 v24, v16;
	_ =	sdelay $0x1  }
0x23c: {  	v16 =	vadd.f32 v19, v16;
	_ =	sdelay $0x1  }
0x23d: {  	v16 =	vadd.f32 v25, v16;
	_ =	sdelay $0x1  }
0x23e: {  	v16 =	vadd.f32 v20, v16;
	_ =	sdelay $0x1  }
0x23f: {  	v16 =	vadd.f32 v26, v16;
	_ =	sdelay $0x1  }
.Ltmp0:
0x240: {  	v16 =	vadd.f32 v21, v16;
	(pc) =	sbr.rel @p0 .LBB2_2-.Ltmp0, $3  }
0x241: {  	_ = 	snop  }
0x242: {  	v16 =	vsub.f32 $0.0e+00, v16;
	_ =	sdelay $0x1  }
0x243: {  	v16 =	vmul.f32 $1.442695020e+00, v16  }
0x244: {  	_ = 	snop  }
0x245: {  	(erf) = vpow2.f32 v16;
	_ =	sdelay $0x8  }
0x246: {  	v16 =	vpop (erf)  }
0x247: {  	v16 =	vadd.f32 $1.000000000e+00, v16;
	_ =	sdelay $0x1  }
0x248: {  	(erf) = vrcp.f32 v16;
	_ =	sdelay $0x7  }
0x249: {  	s22 =	sadd.s32 $0x1, s22  }
0x24a: {  	p0 =	sne.s32 s22, s13;
	v16 =	vpop (erf)  }
.Ltmp1:
0x24b: {  	[tilespmem:s23+$0x0] =	vst v16;
	(pc) =	sbr.rel @p0 .LBB2_1-.Ltmp1, $4  }
0x24c: {  	[hbm4b:s12+s2] =	stream.linear.scatter [tilespmem:s1], [sflag:$0x2], $0x200, $0x38;
	[tilespmem:$0x10700] =	vst v63  }
0x24d: {  	_ =	swait.ge [sflag:s14], $0x200  }
0x24e: {  	[sflag:s14] =	ssyncset.done $0x0  }
0x24f: {  	[sflag:s14] =	ssyncadd.s32 $0xFFFFFE00  }
0x250: {  	_ =	sfence.sel $0x180000  }
0x251: {  	[bflag:$0x0] =	sbarrier.arrive $0xFFFF  }
0x252: {  	_ =	strace $0x90000047  }
0x253: {  	s0 =	stileid.u32;
	[bflag:$0x2] =	sbarrier.arrive $0xFFFF  }
0x254: {  	p0 =	sne.s32 s0, $0x0;
	s0 =	rddreg [dreg:$0x3]  }
0x255: {  	s0 =	sadd.s32 @!p0 $0x100000, s0  }
0x256: {  	[sflag:s0] =	ssyncadd.tile.s32 @!p0 $0x1;
	_ =	shalt  }
.Lfunc_end2:
_tile_overlayer_lowered:
.L_overlay_start_2:
0x257: {  	(tag) =	ssettag $0x2  }
0x258: {  	s0 =	rddreg [dreg:$0x0];
	s2 =	stileid.u32  }
0x259: {  	s1 =	rddreg [dreg:$0x1];
	p0 =	sne.s32 s2, $0x0  }
0x25a: {  	s3 =	rddreg [dreg:$0x2];
	[bflag:$0x3] =	sbarrier.arrive $0xFFFF;
	s2 =	simm.s32 @!p0 $0x1C02  }
0x25b: {  	[timem:s3], [sflag:s2] =	dma.local @!p0 [hbm:s0], s1  }
0x25c: {  	s0 =	simm.s32 @!p0 $0x2  }
0x25d: {  	_ =	swait.ge @!p0 [sflag:s0], s1  }
0x25e: {  	s1 =	ssub.s32 @!p0 $0x0, s1;
	[sflag:s0] =	ssyncset.done @!p0 $0x0  }
0x25f: {  	[sflag:s0] =	ssyncadd.s32 @!p0 s1  }
0x260: {  	[bflag:$0x3] =	sbarrier.arrive $0xFFFF  }
0x261: {  	_ =	shalt  }

</sc_bundles>
